<compile_context>
chip_gen: v7x
topology: tpu7x:2x2x1
jax: 0.10.2.dev20260603
libtpu: 0.0.44.dev20260713+nightly
codegen_flags: <defaults>
</compile_context>

<pallas_src>
import dataclasses
import functools

import numpy as np

import jax
import jax.numpy as jnp
from jax import lax
from jax.experimental import pallas as pl
from jax.experimental.pallas import tpu as pltpu
from jax.experimental.pallas import tpu_sc as plsc

N = 10000
E = 320000
D = 128
H = 32

NC = 2
NS = 16
NW = NC * NS
CHUNK = 128
NCHUNK = 80
EPT = CHUNK * NCHUNK
E_PAD = EPT * NW
N_PAD = 10240
RPT = N_PAD // NS
HR = N_PAD // 128

_PAD_SRC = np.arange(E_PAD - E, dtype=np.int32) % N
_PAD_DST = N + np.arange(E_PAD - E, dtype=np.int32) % (N_PAD - N)
_PAD_BLK = np.stack([_PAD_SRC.reshape(-1, CHUNK), _PAD_DST.reshape(-1, CHUNK)])

_mesh = plsc.VectorSubcoreMesh(core_axis_name="c", subcore_axis_name="s")

_cp = pltpu.CompilerParams()
if "needs_layout_passes" in pltpu.CompilerParams.__dataclass_fields__:
    _cp = dataclasses.replace(_cp, needs_layout_passes=False)


@functools.partial(
    pl.kernel,
    out_type=jax.ShapeDtypeStruct((NC, HR, 128), jnp.float32),
    mesh=_mesh,
    scratch_types=[
        pltpu.VMEM((CHUNK,), jnp.int32),
        pltpu.VMEM((CHUNK,), jnp.int32),
        pltpu.VMEM((HR, 128), jnp.float32),
        pltpu.VMEM((HR,), jnp.int32),
        pltpu.VMEM_SHARED((HR, 128), jnp.float32),
        pltpu.SemaphoreType.DMA,
        pltpu.SemaphoreType.DMA,
    ],
    compiler_params=_cp,
)
def _deg_kernel(ei_hbm, out_hbm, di0, di1, hist, rowidx, deg_sh, si0, si1):
    cid = lax.axis_index("c")
    sid = lax.axis_index("s")
    wid = cid * NS + sid
    i16 = lax.iota(jnp.int32, 16)
    ones = jnp.ones((16,), jnp.float32)

    @pl.loop(0, HR)
    def _(i):
        @pl.loop(0, 8)
        def _(j):
            hist[i, pl.ds(j * 16, 16)] = jnp.zeros((16,), jnp.float32)

    @pl.loop(0, HR // 16)
    def _(k):
        rowidx[pl.ds(k * 16, 16)] = i16 + k * 16

    @pl.when(sid == 0)
    def _():
        pltpu.sync_copy(hist, deg_sh)

    def idx_dma(c, dv, sem):
        return pltpu.make_async_copy(ei_hbm.at[1, wid * NCHUNK + c], dv, sem)

    idx_dma(0, di0, si0).start()
    idx_dma(1, di1, si1).start()

    def accum(dv):
        @pl.loop(0, CHUNK // 16)
        def _(k):
            ids = dv[pl.ds(k * 16, 16)]
            row = lax.shift_right_logical(ids, 7)
            col = lax.bitwise_and(ids, 127)
            plsc.addupdate_scatter(hist, [row, col], ones)

    @pl.loop(0, NCHUNK // 2 - 1)
    def _(g):
        c0 = g * 2
        idx_dma(c0, di0, si0).wait()
        accum(di0)
        idx_dma(c0 + 2, di0, si0).start()
        idx_dma(c0 + 1, di1, si1).wait()
        accum(di1)
        idx_dma(c0 + 3, di1, si1).start()

    idx_dma(NCHUNK - 2, di0, si0).wait()
    accum(di0)
    idx_dma(NCHUNK - 1, di1, si1).wait()
    accum(di1)

    plsc.subcore_barrier()
    pltpu.sync_copy(hist, deg_sh.at[rowidx], add=True)
    plsc.subcore_barrier()

    @pl.when(sid < 10)
    def _():
        pltpu.sync_copy(deg_sh.at[pl.ds(sid * 8, 8)],
                        out_hbm.at[cid, pl.ds(sid * 8, 8)])


NB = 2

_spmm_scratch = (
    [pltpu.VMEM((CHUNK,), jnp.int32) for _ in range(NB)]
    + [pltpu.VMEM((CHUNK,), jnp.int32) for _ in range(NB)]
    + [pltpu.VMEM((CHUNK, D), jnp.float32) for _ in range(NB)]
    + [pltpu.VMEM_SHARED((N_PAD, D), jnp.float32)]
    + [pltpu.SemaphoreType.DMA for _ in range(3 * NB)]
)


@functools.partial(
    pl.kernel,
    out_type=jax.ShapeDtypeStruct((NC, N_PAD, D), jnp.float32),
    mesh=_mesh,
    scratch_types=_spmm_scratch,
)
def _spmm_kernel(xs_hbm, ei_hbm, out_hbm, *scr):
    sv = scr[0:NB]
    dv = scr[NB:2 * NB]
    rows = scr[2 * NB:3 * NB]
    z_sh = scr[3 * NB]
    ss = scr[3 * NB + 1:3 * NB + 1 + NB]
    ds_ = scr[3 * NB + 1 + NB:3 * NB + 1 + 2 * NB]
    gs = scr[3 * NB + 1 + 2 * NB:3 * NB + 1 + 3 * NB]

    cid = lax.axis_index("c")
    sid = lax.axis_index("s")
    wid = cid * NS + sid

    @pl.loop(0, CHUNK)
    def _(i):
        @pl.loop(0, D // 16)
        def _(j):
            rows[0][i, pl.ds(j * 16, 16)] = jnp.zeros((16,), jnp.float32)

    @pl.loop(0, RPT // CHUNK)
    def _(k):
        pltpu.sync_copy(rows[0], z_sh.at[pl.ds(sid * RPT + k * CHUNK, CHUNK)])

    plsc.subcore_barrier()

    def sidx(c, b):
        return pltpu.make_async_copy(ei_hbm.at[0, wid * NCHUNK + c], sv[b], ss[b])

    def didx(c, b):
        return pltpu.make_async_copy(ei_hbm.at[1, wid * NCHUNK + c], dv[b], ds_[b])

    def gath(b):
        return pltpu.make_async_copy(xs_hbm.at[sv[b]], rows[b], gs[b])

    for b in range(NB):
        sidx(b, b).start()
        didx(b, b).start()
    for b in range(NB):
        sidx(b, b).wait()
        gath(b).start()

    @pl.loop(0, NCHUNK // NB - 1)
    def _(g):
        c0 = g * NB
        for b in range(NB):
            gath(b).wait()
            didx(c0 + b, b).wait()
            pltpu.sync_copy(rows[b], z_sh.at[dv[b]], add=True)
            sidx(c0 + NB + b, b).start()
            didx(c0 + NB + b, b).start()
        for b in range(NB):
            sidx(c0 + NB + b, b).wait()
            gath(b).start()

    for b in range(NB):
        gath(b).wait()
        didx(NCHUNK - NB + b, b).wait()
        pltpu.sync_copy(rows[b], z_sh.at[dv[b]], add=True)

    plsc.subcore_barrier()
    pltpu.sync_copy(z_sh.at[pl.ds(sid * RPT, RPT)],
                    out_hbm.at[cid, pl.ds(sid * RPT, RPT)])


ER = 2500
EPAD_R = E_PAD // CHUNK - ER


def _repack_body(ei_ref, pad_ref, out_ref):
    out_ref[:, 0:ER, :] = ei_ref[...]
    out_ref[:, ER:ER + EPAD_R, :] = pad_ref[...]


_repack = pl.pallas_call(
    _repack_body,
    in_specs=[
        pl.BlockSpec((2, ER, CHUNK), lambda: (0, 0, 0)),
        pl.BlockSpec((2, EPAD_R, CHUNK), lambda: (0, 0, 0)),
    ],
    out_specs=pl.BlockSpec((2, ER + EPAD_R, CHUNK), lambda: (0, 0, 0)),
    out_shape=jax.ShapeDtypeStruct((2, ER + EPAD_R, CHUNK), jnp.int32),
)


BR = 2048
GRID = 5


def _eye128():
    r = lax.broadcasted_iota(jnp.int32, (128, 128), 0)
    c = lax.broadcasted_iota(jnp.int32, (128, 128), 1)
    return (r == c).astype(jnp.float32)


def _scale_rows(dinv2d, u):
    eye = _eye128()
    parts = []
    for r in range(BR // 128):
        dg = eye * dinv2d[r:r + 1, :]
        parts.append(jnp.dot(dg, u[r * 128:(r + 1) * 128, :],
                             preferred_element_type=jnp.float32,
                             precision=lax.Precision.HIGHEST))
    return jnp.concatenate(parts, axis=0)


def _prep_body(x_ref, degp_ref, xs_ref):
    deg = degp_ref[0] + degp_ref[1] + 1.0
    dinv = lax.rsqrt(deg)
    xs_ref[...] = _scale_rows(dinv, x_ref[...])


_prep = pl.pallas_call(
    _prep_body,
    grid=(GRID,),
    in_specs=[
        pl.BlockSpec((BR, D), lambda i: (i, 0)),
        pl.BlockSpec((NC, BR // 128, 128), lambda i: (0, i, 0)),
    ],
    out_specs=pl.BlockSpec((BR, D), lambda i: (i, 0)),
    out_shape=jax.ShapeDtypeStruct((N, D), jnp.float32),
)


def _epi_body(zp, xs, degp, x,
              aw, ab, a1w, a1b, a2w, a2b, a3w, a3b,
              cw, cb, c1w, c1b, c2w, c2b, c3w, c3b,
              conc_ref, val_ref, csum):
    i = pl.program_id(0)
    f32 = jnp.float32
    z = zp[0] + zp[1]
    dinv = lax.rsqrt(degp[0] + degp[1] + 1.0)
    y = _scale_rows(dinv, z + xs[...])
    a = jnp.maximum(jnp.dot(y, aw[...], preferred_element_type=f32, precision=lax.Precision.HIGHEST) + ab[...], 0.0)
    a = a + x[...]
    a = jnp.maximum(jnp.dot(a, a1w[...], preferred_element_type=f32, precision=lax.Precision.HIGHEST) + a1b[...], 0.0)
    a = jnp.maximum(jnp.dot(a, a2w[...], preferred_element_type=f32, precision=lax.Precision.HIGHEST) + a2b[...], 0.0)
    w3t = jnp.transpose(a3w[...])
    a3rows = [
        jnp.dot(w3t, jnp.transpose(a[r * 128:(r + 1) * 128, :]),
                preferred_element_type=f32, precision=lax.Precision.HIGHEST)
        for r in range(BR // 128)
    ]
    a3f = jnp.concatenate(a3rows, axis=0) + a3b[...]
    conc_ref[...] = (jax.nn.softplus(a3f) + 1e-20).reshape(BR)

    c = jnp.maximum(jnp.dot(y, cw[...], preferred_element_type=f32, precision=lax.Precision.HIGHEST) + cb[...], 0.0)
    c = c + x[...]
    rid = lax.broadcasted_iota(jnp.int32, (BR, 1), 0)
    c = jnp.where(rid < N - i * BR, c, 0.0)

    @pl.when(i == 0)
    def _():
        csum[...] = jnp.zeros_like(csum)

    csum[...] += jnp.sum(c, axis=0, keepdims=True)

    @pl.when(i == pl.num_programs(0) - 1)
    def _():
        cv = csum[...]
        h = jnp.maximum(jnp.dot(cv, c1w[...], preferred_element_type=f32, precision=lax.Precision.HIGHEST) + c1b[...], 0.0)
        h = jnp.maximum(jnp.dot(h, c2w[...], preferred_element_type=f32, precision=lax.Precision.HIGHEST) + c2b[...], 0.0)
        val_ref[...] = jnp.dot(h, c3w[...], preferred_element_type=f32, precision=lax.Precision.HIGHEST) + c3b[...]


def _full(shape):
    return pl.BlockSpec(shape, lambda i: tuple(0 for _ in shape))


_epi = pl.pallas_call(
    _epi_body,
    grid=(GRID,),
    in_specs=[
        pl.BlockSpec((NC, BR, D), lambda i: (0, i, 0)),
        pl.BlockSpec((BR, D), lambda i: (i, 0)),
        pl.BlockSpec((NC, BR // 128, 128), lambda i: (0, i, 0)),
        pl.BlockSpec((BR, D), lambda i: (i, 0)),
        _full((D, D)), _full((1, D)),
        _full((D, H)), _full((1, H)),
        _full((H, H)), _full((1, H)),
        _full((H, 1)), _full((1, 1)),
        _full((D, D)), _full((1, D)),
        _full((D, H)), _full((1, H)),
        _full((H, H)), _full((1, H)),
        _full((H, 1)), _full((1, 1)),
    ],
    out_specs=[
        pl.BlockSpec((BR,), lambda i: (i,)),
        pl.BlockSpec((1, 1), lambda i: (0, 0)),
    ],
    out_shape=[
        jax.ShapeDtypeStruct((N,), jnp.float32),
        jax.ShapeDtypeStruct((1, 1), jnp.float32),
    ],
    scratch_shapes=[pltpu.VMEM((1, D), jnp.float32)],
)


def kernel(x, edge_index,
           actor_conv_w, actor_conv_b, actor_l1_w, actor_l1_b,
           actor_l2_w, actor_l2_b, actor_l3_w, actor_l3_b,
           critic_conv_w, critic_conv_b, critic_l1_w, critic_l1_b,
           critic_l2_w, critic_l2_b, critic_l3_w, critic_l3_b):
    ei3 = edge_index.reshape(2, ER, CHUNK)
    packed = _repack(ei3, jnp.asarray(_PAD_BLK))

    degp = _deg_kernel(packed)
    xs = _prep(x, degp)
    zp = _spmm_kernel(xs, packed)

    conc, val = _epi(
        zp, xs, degp, x,
        actor_conv_w, actor_conv_b.reshape(1, D),
        actor_l1_w, actor_l1_b.reshape(1, H),
        actor_l2_w, actor_l2_b.reshape(1, H),
        actor_l3_w, actor_l3_b.reshape(1, 1),
        critic_conv_w, critic_conv_b.reshape(1, D),
        critic_l1_w, critic_l1_b.reshape(1, H),
        critic_l2_w, critic_l2_b.reshape(1, H),
        critic_l3_w, critic_l3_b.reshape(1, 1),
    )
    return conc, val.reshape(-1)

# --- scband reference (transcript-rebuilt; emitter-appended) ---
"""Pipeline reference for scband-a2-c-69655779607153 (READ-ONLY COPY).

The authoritative reference and input builder live on the scoring server;
editing this copy changes nothing except your own understanding.
"""

import jax, jax.numpy as jnp
import numpy as np

N = 10000
E = 320000
D = 128
H = 32


def _lin(key, fan_in, fan_out):
    return jax.random.normal(key, (fan_in, fan_out), dtype=jnp.float32) * (1.0 / np.sqrt(fan_in))


def setup_inputs(seed: int = 0) -> dict:
    key = jax.random.key(seed)
    ks = jax.random.split(key, 20)
    inp = {}
    inp['x'] = jax.random.normal(ks[0], (N, D), dtype=jnp.float32)
    inp['edge_index'] = jax.random.randint(ks[1], (2, E), 0, N, dtype=jnp.int32)
    # actor params (GCNConv(D,D) + Linear(D,32) + Linear(32,32) + Linear(32,1))
    inp['actor_conv_w'] = _lin(ks[2], D, D)
    inp['actor_conv_b'] = jnp.zeros((D,), dtype=jnp.float32)
    inp['actor_l1_w'] = _lin(ks[3], D, H)
    inp['actor_l1_b'] = jnp.zeros((H,), dtype=jnp.float32)
    inp['actor_l2_w'] = _lin(ks[4], H, H)
    inp['actor_l2_b'] = jnp.zeros((H,), dtype=jnp.float32)
    inp['actor_l3_w'] = _lin(ks[5], H, 1)
    inp['actor_l3_b'] = jnp.zeros((1,), dtype=jnp.float32)
    # critic params
    inp['critic_conv_w'] = _lin(ks[6], D, D)
    inp['critic_conv_b'] = jnp.zeros((D,), dtype=jnp.float32)
    inp['critic_l1_w'] = _lin(ks[7], D, H)
    inp['critic_l1_b'] = jnp.zeros((H,), dtype=jnp.float32)
    inp['critic_l2_w'] = _lin(ks[8], H, H)
    inp['critic_l2_b'] = jnp.zeros((H,), dtype=jnp.float32)
    inp['critic_l3_w'] = _lin(ks[9], H, 1)
    inp['critic_l3_b'] = jnp.zeros((1,), dtype=jnp.float32)
    return inp


def gcn_conv(x, edge_index, W, b):
    # GCNConv: D^{-1/2} (A + I) D^{-1/2} X W + b
    n = x.shape[0]
    loop = jnp.arange(n, dtype=edge_index.dtype)
    src = jnp.concatenate([edge_index[0], loop])
    dst = jnp.concatenate([edge_index[1], loop])
    deg = jnp.zeros((n,), dtype=x.dtype).at[dst].add(1.0)
    dinv = jax.lax.rsqrt(jnp.maximum(deg, 1.0))
    norm = dinv[src] * dinv[dst]
    h = x @ W
    msg = jnp.take(h, src, axis=0) * norm[:, None]
    out = jax.ops.segment_sum(msg, dst, num_segments=n)
    return out + b


def reference(x, edge_index,
              actor_conv_w, actor_conv_b, actor_l1_w, actor_l1_b,
              actor_l2_w, actor_l2_b, actor_l3_w, actor_l3_b,
              critic_conv_w, critic_conv_b, critic_l1_w, critic_l1_b,
              critic_l2_w, critic_l2_b, critic_l3_w, critic_l3_b):
    # Actor: GNNActor.forward
    a = jax.nn.relu(gcn_conv(x, edge_index, actor_conv_w, actor_conv_b))
    a = a + x
    a = jax.nn.relu(a @ actor_l1_w + actor_l1_b)
    a = jax.nn.relu(a @ actor_l2_w + actor_l2_b)
    a_out = a @ actor_l3_w + actor_l3_b
    concentration = jax.nn.softplus(a_out).reshape(-1) + 1e-20
    # Critic: GNNCritic.forward
    c = jax.nn.relu(gcn_conv(x, edge_index, critic_conv_w, critic_conv_b))
    c = c + x
    c = jnp.sum(c, axis=0)
    c = jax.nn.relu(c @ critic_l1_w + critic_l1_b)
    c = jax.nn.relu(c @ critic_l2_w + critic_l2_b)
    value = c @ critic_l3_w + critic_l3_b
    return (concentration, value)

if __name__ == "__main__":
    import jax
    _d = setup_inputs()
    print(jax.jit(kernel)(*tuple(_d.values())))

</pallas_src>

<mosaic_0001>
#map = affine_map<(d0, d1) -> (0, 0, 0)>
module attributes {stable_mosaic.version = 14 : i64} {
  func.func @_deg_kernel(%arg0: i32, %arg1: i32, %arg2: memref<2x2560x128xi32, #tpu.memory_space<hbm>>, %arg3: memref<2x80x128xf32, #tpu.memory_space<hbm>>, %arg4: memref<128xi32, #tpu.memory_space<vmem>>, %arg5: memref<128xi32, #tpu.memory_space<vmem>>, %arg6: memref<80x128xf32, #tpu.memory_space<vmem>>, %arg7: memref<80xi32, #tpu.memory_space<vmem>>, %arg8: memref<80x128xf32, #tpu.memory_space<vmem_shared>>, %arg9: memref<!tpu.dma_semaphore, #tpu.memory_space<semaphore_mem>>, %arg10: memref<!tpu.dma_semaphore, #tpu.memory_space<semaphore_mem>>) attributes {dimension_semantics = [#tpu.dimension_semantics<core_parallel>, #tpu.dimension_semantics<subcore_parallel>], iteration_bounds = array<i64: 2, 16>, scalar_prefetch = 0 : i64, scratch_operands = 7 : i64, tpu.core_type = #tpu.core_type<sc_vector_subcore>, window_params = [{transform_indices = #map}, {transform_indices = #map}]} {
    %mul3A = arith.constant 16 : i32
    %mul3A_0 = arith.muli %arg0, %mul3A : i32
    %add3A = arith.addi %mul3A_0, %arg1 : i32
    %iota3A = tpu.iota {dimensions = array<i32: 0>} : vector<16xi32>
    %broadcast_in_dim3A = arith.constant 1.000000e+00 : f32
    %broadcast_in_dim3A_1 = vector.broadcast %broadcast_in_dim3A : f32 to vector<16xf32>
    %scan3A = arith.constant 0 : i32
    %scan3A_2 = arith.constant 80 : i32
    %scan3A_3 = arith.addi %scan3A, %scan3A_2 : i32
    %scan3A_4 = arith.constant 1 : i32
    scf.for %scan3A_75 = %scan3A to %scan3A_3 step %scan3A_4  : i32 {
      %mul3A_76 = arith.constant 1 : i32
      %mul3A_77 = arith.muli %scan3A_75, %mul3A_76 : i32
      %add3A_78 = arith.constant 0 : i32
      %add3A_79 = arith.addi %add3A_78, %mul3A_77 : i32
      %scan3A_80 = arith.constant 0 : i32
      %scan3A_81 = arith.constant 8 : i32
      %scan3A_82 = arith.addi %scan3A_80, %scan3A_81 : i32
      %scan3A_83 = arith.constant 1 : i32
      scf.for %scan3A_85 = %scan3A_80 to %scan3A_82 step %scan3A_83  : i32 {
        %mul3A_86 = arith.constant 1 : i32
        %mul3A_87 = arith.muli %scan3A_85, %mul3A_86 : i32
        %add3A_88 = arith.constant 0 : i32
        %add3A_89 = arith.addi %add3A_88, %mul3A_87 : i32
        %broadcast_in_dim3A_90 = arith.constant 0.000000e+00 : f32
        %broadcast_in_dim3A_91 = vector.broadcast %broadcast_in_dim3A_90 : f32 to vector<16xf32>
        %mul3A_92 = arith.constant 16 : i32
        %mul3A_93 = arith.muli %add3A_89, %mul3A_92 : i32
        %swap3A = arith.index_cast %add3A_79 : i32 to index
        %swap3A_94 = arith.index_cast %mul3A_93 : i32 to index
        %swap3A_95 = tpu.vector_load %arg6[%swap3A, %swap3A_94] {strides = array<i32>} : memref<80x128xf32, #tpu.memory_space<vmem>>, vector<16xf32>,
        tpu.vector_store %arg6[%swap3A, %swap3A_94], %broadcast_in_dim3A_91 {strides = array<i32>} : memref<80x128xf32, #tpu.memory_space<vmem>>, vector<16xf32>,
      }
      %scan3A_84 = arith.constant 8 : i32
    }
    %scan3A_5 = arith.constant 80 : i32
    %scan3A_6 = arith.constant 0 : i32
    %scan3A_7 = arith.constant 5 : i32
    %scan3A_8 = arith.addi %scan3A_6, %scan3A_7 : i32
    %scan3A_9 = arith.constant 1 : i32
    scf.for %scan3A_75 = %scan3A_6 to %scan3A_8 step %scan3A_9  : i32 {
      %mul3A_76 = arith.constant 1 : i32
      %mul3A_77 = arith.muli %scan3A_75, %mul3A_76 : i32
      %add3A_78 = arith.constant 0 : i32
      %add3A_79 = arith.addi %add3A_78, %mul3A_77 : i32
      %mul3A_80 = arith.constant 16 : i32
      %mul3A_81 = arith.muli %add3A_79, %mul3A_80 : i32
      %add3A_82 = vector.broadcast %mul3A_81 : i32 to vector<16xi32>
      %add3A_83 = arith.addi %iota3A, %add3A_82 : vector<16xi32>
      %mul3A_84 = arith.constant 16 : i32
      %mul3A_85 = arith.muli %add3A_79, %mul3A_84 : i32
      %swap3A = arith.index_cast %mul3A_85 : i32 to index
      %swap3A_86 = tpu.vector_load %arg7[%swap3A] {strides = array<i32>} : memref<80xi32, #tpu.memory_space<vmem>>, vector<16xi32>,
      tpu.vector_store %arg7[%swap3A], %add3A_83 {strides = array<i32>} : memref<80xi32, #tpu.memory_space<vmem>>, vector<16xi32>,
    }
    %scan3A_10 = arith.constant 5 : i32
    %eq3A = arith.constant 0 : i32
    %eq3A_11 = arith.cmpi eq, %arg1, %eq3A : i32
    %convert_element_type3A = arith.extui %eq3A_11 : i1 to i32
    %cond3A = arith.constant 0 : i32
    %cond3A_12 = arith.cmpi ne, %convert_element_type3A, %cond3A : i32
    scf.if %cond3A_12 {
      "tpu.region"() ({
        %run_scoped3A = tpu.sem_alloc : memref<!tpu.dma_semaphore, #tpu.memory_space<semaphore_mem>>
        tpu.enqueue_dma source(%arg6 : memref<80x128xf32, #tpu.memory_space<vmem>>) target(%arg8 : memref<80x128xf32, #tpu.memory_space<vmem_shared>>) target_semaphore(%run_scoped3A : memref<!tpu.dma_semaphore, #tpu.memory_space<semaphore_mem>>)
        tpu.wait_dma2 semaphore(%run_scoped3A : memref<!tpu.dma_semaphore, #tpu.memory_space<semaphore_mem>>) src(%arg6 : memref<80x128xf32, #tpu.memory_space<vmem>>) dst(%arg8 : memref<80x128xf32, #tpu.memory_space<vmem_shared>>)
        tpu.yield
      }) : () -> ()
    } else {
    }
    %mul3A_13 = arith.constant 80 : i32
    %mul3A_14 = arith.muli %add3A, %mul3A_13 : i32
    %add3A_15 = arith.constant 0 : i32
    %add3A_16 = arith.addi %mul3A_14, %add3A_15 : i32
    %dma_start3A = arith.constant 1 : i32
    %dma_start3A_17 = arith.constant 0 : i32
    %dma_start3A_18 = tpu.memref_slice %arg2[%dma_start3A, %add3A_16, %dma_start3A_17] : memref<2x2560x128xi32, #tpu.memory_space<hbm>> -> memref<1x1x128xi32, #tpu.memory_space<hbm>>
    %dma_start3A_19 = tpu.memref_squeeze %dma_start3A_18 : memref<1x1x128xi32, #tpu.memory_space<hbm>> -> memref<128xi32, #tpu.memory_space<hbm>>
    %dma_start3A_20 = arith.constant 0 : i32
    %dma_start3A_21 = tpu.memref_slice %arg2[%dma_start3A, %add3A_16, %dma_start3A_20] : memref<2x2560x128xi32, #tpu.memory_space<hbm>> -> memref<1x1x128xi32, #tpu.memory_space<hbm>>
    %dma_start3A_22 = tpu.memref_squeeze %dma_start3A_21 : memref<1x1x128xi32, #tpu.memory_space<hbm>> -> memref<128xi32, #tpu.memory_space<hbm>>
    tpu.enqueue_dma source(%dma_start3A_22 : memref<128xi32, #tpu.memory_space<hbm>>) target(%arg4 : memref<128xi32, #tpu.memory_space<vmem>>) target_semaphore(%arg9 : memref<!tpu.dma_semaphore, #tpu.memory_space<semaphore_mem>>)
    %mul3A_23 = arith.constant 80 : i32
    %mul3A_24 = arith.muli %add3A, %mul3A_23 : i32
    %add3A_25 = arith.constant 1 : i32
    %add3A_26 = arith.addi %mul3A_24, %add3A_25 : i32
    %dma_start3A_27 = arith.constant 1 : i32
    %dma_start3A_28 = arith.constant 0 : i32
    %dma_start3A_29 = tpu.memref_slice %arg2[%dma_start3A_27, %add3A_26, %dma_start3A_28] : memref<2x2560x128xi32, #tpu.memory_space<hbm>> -> memref<1x1x128xi32, #tpu.memory_space<hbm>>
    %dma_start3A_30 = tpu.memref_squeeze %dma_start3A_29 : memref<1x1x128xi32, #tpu.memory_space<hbm>> -> memref<128xi32, #tpu.memory_space<hbm>>
    %dma_start3A_31 = arith.constant 0 : i32
    %dma_start3A_32 = tpu.memref_slice %arg2[%dma_start3A_27, %add3A_26, %dma_start3A_31] : memref<2x2560x128xi32, #tpu.memory_space<hbm>> -> memref<1x1x128xi32, #tpu.memory_space<hbm>>
    %dma_start3A_33 = tpu.memref_squeeze %dma_start3A_32 : memref<1x1x128xi32, #tpu.memory_space<hbm>> -> memref<128xi32, #tpu.memory_space<hbm>>
    tpu.enqueue_dma source(%dma_start3A_33 : memref<128xi32, #tpu.memory_space<hbm>>) target(%arg5 : memref<128xi32, #tpu.memory_space<vmem>>) target_semaphore(%arg10 : memref<!tpu.dma_semaphore, #tpu.memory_space<semaphore_mem>>)
    %scan3A_34 = arith.constant 0 : i32
    %scan3A_35 = arith.constant 39 : i32
    %scan3A_36 = arith.addi %scan3A_34, %scan3A_35 : i32
    %scan3A_37 = arith.constant 1 : i32
    scf.for %scan3A_75 = %scan3A_34 to %scan3A_36 step %scan3A_37  : i32 {
      %mul3A_76 = arith.constant 1 : i32
      %mul3A_77 = arith.muli %scan3A_75, %mul3A_76 : i32
      %add3A_78 = arith.constant 0 : i32
      %add3A_79 = arith.addi %add3A_78, %mul3A_77 : i32
      %mul3A_80 = arith.constant 2 : i32
      %mul3A_81 = arith.muli %add3A_79, %mul3A_80 : i32
      %mul3A_82 = arith.constant 80 : i32
      %mul3A_83 = arith.muli %add3A, %mul3A_82 : i32
      %add3A_84 = arith.addi %mul3A_83, %mul3A_81 : i32
      %dma_wait3A_85 = arith.constant 1 : i32
      %dma_wait3A_86 = arith.constant 0 : i32
      %dma_wait3A_87 = tpu.memref_slice %arg2[%dma_wait3A_85, %add3A_84, %dma_wait3A_86] : memref<2x2560x128xi32, #tpu.memory_space<hbm>> -> memref<1x1x128xi32, #tpu.memory_space<hbm>>
      %dma_wait3A_88 = tpu.memref_squeeze %dma_wait3A_87 : memref<1x1x128xi32, #tpu.memory_space<hbm>> -> memref<128xi32, #tpu.memory_space<hbm>>
      %dma_wait3A_89 = arith.constant 0 : i32
      %dma_wait3A_90 = tpu.memref_slice %arg2[%dma_wait3A_85, %add3A_84, %dma_wait3A_89] : memref<2x2560x128xi32, #tpu.memory_space<hbm>> -> memref<1x1x128xi32, #tpu.memory_space<hbm>>
      %dma_wait3A_91 = tpu.memref_squeeze %dma_wait3A_90 : memref<1x1x128xi32, #tpu.memory_space<hbm>> -> memref<128xi32, #tpu.memory_space<hbm>>
      tpu.wait_dma2 semaphore(%arg9 : memref<!tpu.dma_semaphore, #tpu.memory_space<semaphore_mem>>) src(%dma_wait3A_91 : memref<128xi32, #tpu.memory_space<hbm>>) dst(%arg4 : memref<128xi32, #tpu.memory_space<vmem>>)
      %scan3A_92 = arith.constant 0 : i32
      %scan3A_93 = arith.constant 8 : i32
      %scan3A_94 = arith.addi %scan3A_92, %scan3A_93 : i32
      %scan3A_95 = arith.constant 1 : i32
      scf.for %scan3A_138 = %scan3A_92 to %scan3A_94 step %scan3A_95  : i32 {
        %mul3A_139 = arith.constant 1 : i32
        %mul3A_140 = arith.muli %scan3A_138, %mul3A_139 : i32
        %add3A_141 = arith.constant 0 : i32
        %add3A_142 = arith.addi %add3A_141, %mul3A_140 : i32
        %mul3A_143 = arith.constant 16 : i32
        %mul3A_144 = arith.muli %add3A_142, %mul3A_143 : i32
        %get3A = arith.index_cast %mul3A_144 : i32 to index
        %get3A_145 = tpu.vector_load %arg4[%get3A] {strides = array<i32>} : memref<128xi32, #tpu.memory_space<vmem>>, vector<16xi32>,
        %shift_right_logical3A = arith.constant 7 : i32
        %shift_right_logical3A_146 = vector.broadcast %shift_right_logical3A : i32 to vector<16xi32>
        %shift_right_logical3A_147 = arith.shrui %get3A_145, %shift_right_logical3A_146 : vector<16xi32>
        %and3A = arith.constant 127 : i32
        %and3A_148 = vector.broadcast %and3A : i32 to vector<16xi32>
        %and3A_149 = arith.andi %get3A_145, %and3A_148 : vector<16xi32>
        tpu.vector_store_idx %arg6[%shift_right_logical3A_147, %and3A_149], %broadcast_in_dim3A_1 {add = true} : memref<80x128xf32, #tpu.memory_space<vmem>>[vector<16xi32>, vector<16xi32>], vector<16xf32>,
      }
      %scan3A_96 = arith.constant 8 : i32
      %add3A_97 = arith.constant 2 : i32
      %add3A_98 = arith.addi %mul3A_81, %add3A_97 : i32
      %mul3A_99 = arith.constant 80 : i32
      %mul3A_100 = arith.muli %add3A, %mul3A_99 : i32
      %add3A_101 = arith.addi %mul3A_100, %add3A_98 : i32
      %dma_start3A_102 = arith.constant 1 : i32
      %dma_start3A_103 = arith.constant 0 : i32
      %dma_start3A_104 = tpu.memref_slice %arg2[%dma_start3A_102, %add3A_101, %dma_start3A_103] : memref<2x2560x128xi32, #tpu.memory_space<hbm>> -> memref<1x1x128xi32, #tpu.memory_space<hbm>>
      %dma_start3A_105 = tpu.memref_squeeze %dma_start3A_104 : memref<1x1x128xi32, #tpu.memory_space<hbm>> -> memref<128xi32, #tpu.memory_space<hbm>>
      %dma_start3A_106 = arith.constant 0 : i32
      %dma_start3A_107 = tpu.memref_slice %arg2[%dma_start3A_102, %add3A_101, %dma_start3A_106] : memref<2x2560x128xi32, #tpu.memory_space<hbm>> -> memref<1x1x128xi32, #tpu.memory_space<hbm>>
      %dma_start3A_108 = tpu.memref_squeeze %dma_start3A_107 : memref<1x1x128xi32, #tpu.memory_space<hbm>> -> memref<128xi32, #tpu.memory_space<hbm>>
      tpu.enqueue_dma source(%dma_start3A_108 : memref<128xi32, #tpu.memory_space<hbm>>) target(%arg4 : memref<128xi32, #tpu.memory_space<vmem>>) target_semaphore(%arg9 : memref<!tpu.dma_semaphore, #tpu.memory_space<semaphore_mem>>)
      %add3A_109 = arith.constant 1 : i32
      %add3A_110 = arith.addi %mul3A_81, %add3A_109 : i32
      %mul3A_111 = arith.constant 80 : i32
      %mul3A_112 = arith.muli %add3A, %mul3A_111 : i32
      %add3A_113 = arith.addi %mul3A_112, %add3A_110 : i32
      %dma_wait3A_114 = arith.constant 1 : i32
      %dma_wait3A_115 = arith.constant 0 : i32
      %dma_wait3A_116 = tpu.memref_slice %arg2[%dma_wait3A_114, %add3A_113, %dma_wait3A_115] : memref<2x2560x128xi32, #tpu.memory_space<hbm>> -> memref<1x1x128xi32, #tpu.memory_space<hbm>>
      %dma_wait3A_117 = tpu.memref_squeeze %dma_wait3A_116 : memref<1x1x128xi32, #tpu.memory_space<hbm>> -> memref<128xi32, #tpu.memory_space<hbm>>
      %dma_wait3A_118 = arith.constant 0 : i32
      %dma_wait3A_119 = tpu.memref_slice %arg2[%dma_wait3A_114, %add3A_113, %dma_wait3A_118] : memref<2x2560x128xi32, #tpu.memory_space<hbm>> -> memref<1x1x128xi32, #tpu.memory_space<hbm>>
      %dma_wait3A_120 = tpu.memref_squeeze %dma_wait3A_119 : memref<1x1x128xi32, #tpu.memory_space<hbm>> -> memref<128xi32, #tpu.memory_space<hbm>>
      tpu.wait_dma2 semaphore(%arg10 : memref<!tpu.dma_semaphore, #tpu.memory_space<semaphore_mem>>) src(%dma_wait3A_120 : memref<128xi32, #tpu.memory_space<hbm>>) dst(%arg5 : memref<128xi32, #tpu.memory_space<vmem>>)
      %scan3A_121 = arith.constant 0 : i32
      %scan3A_122 = arith.constant 8 : i32
      %scan3A_123 = arith.addi %scan3A_121, %scan3A_122 : i32
      %scan3A_124 = arith.constant 1 : i32
      scf.for %scan3A_138 = %scan3A_121 to %scan3A_123 step %scan3A_124  : i32 {
        %mul3A_139 = arith.constant 1 : i32
        %mul3A_140 = arith.muli %scan3A_138, %mul3A_139 : i32
        %add3A_141 = arith.constant 0 : i32
        %add3A_142 = arith.addi %add3A_141, %mul3A_140 : i32
        %mul3A_143 = arith.constant 16 : i32
        %mul3A_144 = arith.muli %add3A_142, %mul3A_143 : i32
        %get3A = arith.index_cast %mul3A_144 : i32 to index
        %get3A_145 = tpu.vector_load %arg5[%get3A] {strides = array<i32>} : memref<128xi32, #tpu.memory_space<vmem>>, vector<16xi32>,
        %shift_right_logical3A = arith.constant 7 : i32
        %shift_right_logical3A_146 = vector.broadcast %shift_right_logical3A : i32 to vector<16xi32>
        %shift_right_logical3A_147 = arith.shrui %get3A_145, %shift_right_logical3A_146 : vector<16xi32>
        %and3A = arith.constant 127 : i32
        %and3A_148 = vector.broadcast %and3A : i32 to vector<16xi32>
        %and3A_149 = arith.andi %get3A_145, %and3A_148 : vector<16xi32>
        tpu.vector_store_idx %arg6[%shift_right_logical3A_147, %and3A_149], %broadcast_in_dim3A_1 {add = true} : memref<80x128xf32, #tpu.memory_space<vmem>>[vector<16xi32>, vector<16xi32>], vector<16xf32>,
      }
      %scan3A_125 = arith.constant 8 : i32
      %add3A_126 = arith.constant 3 : i32
      %add3A_127 = arith.addi %mul3A_81, %add3A_126 : i32
      %mul3A_128 = arith.constant 80 : i32
      %mul3A_129 = arith.muli %add3A, %mul3A_128 : i32
      %add3A_130 = arith.addi %mul3A_129, %add3A_127 : i32
      %dma_start3A_131 = arith.constant 1 : i32
      %dma_start3A_132 = arith.constant 0 : i32
      %dma_start3A_133 = tpu.memref_slice %arg2[%dma_start3A_131, %add3A_130, %dma_start3A_132] : memref<2x2560x128xi32, #tpu.memory_space<hbm>> -> memref<1x1x128xi32, #tpu.memory_space<hbm>>
      %dma_start3A_134 = tpu.memref_squeeze %dma_start3A_133 : memref<1x1x128xi32, #tpu.memory_space<hbm>> -> memref<128xi32, #tpu.memory_space<hbm>>
      %dma_start3A_135 = arith.constant 0 : i32
      %dma_start3A_136 = tpu.memref_slice %arg2[%dma_start3A_131, %add3A_130, %dma_start3A_135] : memref<2x2560x128xi32, #tpu.memory_space<hbm>> -> memref<1x1x128xi32, #tpu.memory_space<hbm>>
      %dma_start3A_137 = tpu.memref_squeeze %dma_start3A_136 : memref<1x1x128xi32, #tpu.memory_space<hbm>> -> memref<128xi32, #tpu.memory_space<hbm>>
      tpu.enqueue_dma source(%dma_start3A_137 : memref<128xi32, #tpu.memory_space<hbm>>) target(%arg5 : memref<128xi32, #tpu.memory_space<vmem>>) target_semaphore(%arg10 : memref<!tpu.dma_semaphore, #tpu.memory_space<semaphore_mem>>)
    }
    %scan3A_38 = arith.constant 39 : i32
    %mul3A_39 = arith.constant 80 : i32
    %mul3A_40 = arith.muli %add3A, %mul3A_39 : i32
    %add3A_41 = arith.constant 78 : i32
    %add3A_42 = arith.addi %mul3A_40, %add3A_41 : i32
    %dma_wait3A = arith.constant 1 : i32
    %dma_wait3A_43 = arith.constant 0 : i32
    %dma_wait3A_44 = tpu.memref_slice %arg2[%dma_wait3A, %add3A_42, %dma_wait3A_43] : memref<2x2560x128xi32, #tpu.memory_space<hbm>> -> memref<1x1x128xi32, #tpu.memory_space<hbm>>
    %dma_wait3A_45 = tpu.memref_squeeze %dma_wait3A_44 : memref<1x1x128xi32, #tpu.memory_space<hbm>> -> memref<128xi32, #tpu.memory_space<hbm>>
    %dma_wait3A_46 = arith.constant 0 : i32
    %dma_wait3A_47 = tpu.memref_slice %arg2[%dma_wait3A, %add3A_42, %dma_wait3A_46] : memref<2x2560x128xi32, #tpu.memory_space<hbm>> -> memref<1x1x128xi32, #tpu.memory_space<hbm>>
    %dma_wait3A_48 = tpu.memref_squeeze %dma_wait3A_47 : memref<1x1x128xi32, #tpu.memory_space<hbm>> -> memref<128xi32, #tpu.memory_space<hbm>>
    tpu.wait_dma2 semaphore(%arg9 : memref<!tpu.dma_semaphore, #tpu.memory_space<semaphore_mem>>) src(%dma_wait3A_48 : memref<128xi32, #tpu.memory_space<hbm>>) dst(%arg4 : memref<128xi32, #tpu.memory_space<vmem>>)
    %scan3A_49 = arith.constant 0 : i32
    %scan3A_50 = arith.constant 8 : i32
    %scan3A_51 = arith.addi %scan3A_49, %scan3A_50 : i32
    %scan3A_52 = arith.constant 1 : i32
    scf.for %scan3A_75 = %scan3A_49 to %scan3A_51 step %scan3A_52  : i32 {
      %mul3A_76 = arith.constant 1 : i32
      %mul3A_77 = arith.muli %scan3A_75, %mul3A_76 : i32
      %add3A_78 = arith.constant 0 : i32
      %add3A_79 = arith.addi %add3A_78, %mul3A_77 : i32
      %mul3A_80 = arith.constant 16 : i32
      %mul3A_81 = arith.muli %add3A_79, %mul3A_80 : i32
      %get3A = arith.index_cast %mul3A_81 : i32 to index
      %get3A_82 = tpu.vector_load %arg4[%get3A] {strides = array<i32>} : memref<128xi32, #tpu.memory_space<vmem>>, vector<16xi32>,
      %shift_right_logical3A = arith.constant 7 : i32
      %shift_right_logical3A_83 = vector.broadcast %shift_right_logical3A : i32 to vector<16xi32>
      %shift_right_logical3A_84 = arith.shrui %get3A_82, %shift_right_logical3A_83 : vector<16xi32>
      %and3A = arith.constant 127 : i32
      %and3A_85 = vector.broadcast %and3A : i32 to vector<16xi32>
      %and3A_86 = arith.andi %get3A_82, %and3A_85 : vector<16xi32>
      tpu.vector_store_idx %arg6[%shift_right_logical3A_84, %and3A_86], %broadcast_in_dim3A_1 {add = true} : memref<80x128xf32, #tpu.memory_space<vmem>>[vector<16xi32>, vector<16xi32>], vector<16xf32>,
    }
    %scan3A_53 = arith.constant 8 : i32
    %mul3A_54 = arith.constant 80 : i32
    %mul3A_55 = arith.muli %add3A, %mul3A_54 : i32
    %add3A_56 = arith.constant 79 : i32
    %add3A_57 = arith.addi %mul3A_55, %add3A_56 : i32
    %dma_wait3A_58 = arith.constant 1 : i32
    %dma_wait3A_59 = arith.constant 0 : i32
    %dma_wait3A_60 = tpu.memref_slice %arg2[%dma_wait3A_58, %add3A_57, %dma_wait3A_59] : memref<2x2560x128xi32, #tpu.memory_space<hbm>> -> memref<1x1x128xi32, #tpu.memory_space<hbm>>
    %dma_wait3A_61 = tpu.memref_squeeze %dma_wait3A_60 : memref<1x1x128xi32, #tpu.memory_space<hbm>> -> memref<128xi32, #tpu.memory_space<hbm>>
    %dma_wait3A_62 = arith.constant 0 : i32
    %dma_wait3A_63 = tpu.memref_slice %arg2[%dma_wait3A_58, %add3A_57, %dma_wait3A_62] : memref<2x2560x128xi32, #tpu.memory_space<hbm>> -> memref<1x1x128xi32, #tpu.memory_space<hbm>>
    %dma_wait3A_64 = tpu.memref_squeeze %dma_wait3A_63 : memref<1x1x128xi32, #tpu.memory_space<hbm>> -> memref<128xi32, #tpu.memory_space<hbm>>
    tpu.wait_dma2 semaphore(%arg10 : memref<!tpu.dma_semaphore, #tpu.memory_space<semaphore_mem>>) src(%dma_wait3A_64 : memref<128xi32, #tpu.memory_space<hbm>>) dst(%arg5 : memref<128xi32, #tpu.memory_space<vmem>>)
    %scan3A_65 = arith.constant 0 : i32
    %scan3A_66 = arith.constant 8 : i32
    %scan3A_67 = arith.addi %scan3A_65, %scan3A_66 : i32
    %scan3A_68 = arith.constant 1 : i32
    scf.for %scan3A_75 = %scan3A_65 to %scan3A_67 step %scan3A_68  : i32 {
      %mul3A_76 = arith.constant 1 : i32
      %mul3A_77 = arith.muli %scan3A_75, %mul3A_76 : i32
      %add3A_78 = arith.constant 0 : i32
      %add3A_79 = arith.addi %add3A_78, %mul3A_77 : i32
      %mul3A_80 = arith.constant 16 : i32
      %mul3A_81 = arith.muli %add3A_79, %mul3A_80 : i32
      %get3A = arith.index_cast %mul3A_81 : i32 to index
      %get3A_82 = tpu.vector_load %arg5[%get3A] {strides = array<i32>} : memref<128xi32, #tpu.memory_space<vmem>>, vector<16xi32>,
      %shift_right_logical3A = arith.constant 7 : i32
      %shift_right_logical3A_83 = vector.broadcast %shift_right_logical3A : i32 to vector<16xi32>
      %shift_right_logical3A_84 = arith.shrui %get3A_82, %shift_right_logical3A_83 : vector<16xi32>
      %and3A = arith.constant 127 : i32
      %and3A_85 = vector.broadcast %and3A : i32 to vector<16xi32>
      %and3A_86 = arith.andi %get3A_82, %and3A_85 : vector<16xi32>
      tpu.vector_store_idx %arg6[%shift_right_logical3A_84, %and3A_86], %broadcast_in_dim3A_1 {add = true} : memref<80x128xf32, #tpu.memory_space<vmem>>[vector<16xi32>, vector<16xi32>], vector<16xf32>,
    }
    %scan3A_69 = arith.constant 8 : i32
    %barrier3A = arith.constant 0 : index
    tpu.barrier barrier_id(%barrier3A)
    "tpu.region"() ({
      %run_scoped3A = tpu.sem_alloc : memref<!tpu.dma_semaphore, #tpu.memory_space<semaphore_mem>>
      %dma_start3A_75 = arith.constant 0 : i32
      %dma_start3A_76 = arith.constant 0 : i32
      %dma_start3A_77 = tpu.memref_slice %arg8[%dma_start3A_75, %dma_start3A_76] : memref<80x128xf32, #tpu.memory_space<vmem_shared>> -> memref<80x128xf32, #tpu.memory_space<vmem_shared>>
      tpu.enqueue_indirect_dma source(%arg6 : memref<80x128xf32, #tpu.memory_space<vmem>>) target(%dma_start3A_77 : memref<80x128xf32, #tpu.memory_space<vmem_shared>>) offsets(%arg7 : memref<80xi32, #tpu.memory_space<vmem>>) semaphore(%run_scoped3A : memref<!tpu.dma_semaphore, #tpu.memory_space<semaphore_mem>>) {add = true}
      %dma_wait3A_78 = arith.constant 0 : i32
      %dma_wait3A_79 = arith.constant 0 : i32
      %dma_wait3A_80 = tpu.memref_slice %arg8[%dma_wait3A_78, %dma_wait3A_79] : memref<80x128xf32, #tpu.memory_space<vmem_shared>> -> memref<80x128xf32, #tpu.memory_space<vmem_shared>>
      tpu.wait_indirect_dma semaphore(%run_scoped3A : memref<!tpu.dma_semaphore, #tpu.memory_space<semaphore_mem>>) src(%arg6 : memref<80x128xf32, #tpu.memory_space<vmem>>) dst(%dma_wait3A_80 : memref<80x128xf32, #tpu.memory_space<vmem_shared>>)
      tpu.yield
    }) : () -> ()
    %barrier3A_70 = arith.constant 0 : index
    tpu.barrier barrier_id(%barrier3A_70)
    %lt3A = arith.constant 10 : i32
    %lt3A_71 = arith.cmpi slt, %arg1, %lt3A : i32
    %convert_element_type3A_72 = arith.extui %lt3A_71 : i1 to i32
    %cond3A_73 = arith.constant 0 : i32
    %cond3A_74 = arith.cmpi ne, %convert_element_type3A_72, %cond3A_73 : i32
    scf.if %cond3A_74 {
      %mul3A_75 = arith.constant 8 : i32
      %mul3A_76 = arith.muli %arg1, %mul3A_75 : i32
      %mul3A_77 = arith.constant 8 : i32
      %mul3A_78 = arith.muli %arg1, %mul3A_77 : i32
      "tpu.region"() ({
        %run_scoped3A = tpu.sem_alloc : memref<!tpu.dma_semaphore, #tpu.memory_space<semaphore_mem>>
        %dma_start3A_79 = arith.constant 0 : i32
        %dma_start3A_80 = tpu.memref_slice %arg3[%arg0, %mul3A_78, %dma_start3A_79] : memref<2x80x128xf32, #tpu.memory_space<hbm>> -> memref<1x8x128xf32, #tpu.memory_space<hbm>>
        %dma_start3A_81 = tpu.memref_squeeze %dma_start3A_80 : memref<1x8x128xf32, #tpu.memory_space<hbm>> -> memref<8x128xf32, #tpu.memory_space<hbm>>
        %dma_start3A_82 = arith.constant 0 : i32
        %dma_start3A_83 = tpu.memref_slice %arg8[%mul3A_76, %dma_start3A_82] : memref<80x128xf32, #tpu.memory_space<vmem_shared>> -> memref<8x128xf32, #tpu.memory_space<vmem_shared>>
        tpu.enqueue_dma source(%dma_start3A_83 : memref<8x128xf32, #tpu.memory_space<vmem_shared>>) target(%dma_start3A_81 : memref<8x128xf32, #tpu.memory_space<hbm>>) target_semaphore(%run_scoped3A : memref<!tpu.dma_semaphore, #tpu.memory_space<semaphore_mem>>)
        %dma_wait3A_84 = arith.constant 0 : i32
        %dma_wait3A_85 = tpu.memref_slice %arg3[%arg0, %mul3A_78, %dma_wait3A_84] : memref<2x80x128xf32, #tpu.memory_space<hbm>> -> memref<1x8x128xf32, #tpu.memory_space<hbm>>
        %dma_wait3A_86 = tpu.memref_squeeze %dma_wait3A_85 : memref<1x8x128xf32, #tpu.memory_space<hbm>> -> memref<8x128xf32, #tpu.memory_space<hbm>>
        %dma_wait3A_87 = arith.constant 0 : i32
        %dma_wait3A_88 = tpu.memref_slice %arg8[%mul3A_76, %dma_wait3A_87] : memref<80x128xf32, #tpu.memory_space<vmem_shared>> -> memref<8x128xf32, #tpu.memory_space<vmem_shared>>
        tpu.wait_dma2 semaphore(%run_scoped3A : memref<!tpu.dma_semaphore, #tpu.memory_space<semaphore_mem>>) src(%dma_wait3A_88 : memref<8x128xf32, #tpu.memory_space<vmem_shared>>) dst(%dma_wait3A_86 : memref<8x128xf32, #tpu.memory_space<hbm>>)
        tpu.yield
      }) : () -> ()
    } else {
    }
    return
  }
}

#map = affine_map<(d0, d1) -> (0, 0)>
#map1 = affine_map<(d0, d1) -> (0, 0, 0)>
module attributes {stable_mosaic.version = 14 : i64} {
  func.func @_spmm_kernel(%arg0: i32, %arg1: i32, %arg2: memref<10000x128xf32, #tpu.memory_space<hbm>>, %arg3: memref<2x2560x128xi32, #tpu.memory_space<hbm>>, %arg4: memref<2x10240x128xf32, #tpu.memory_space<hbm>>, %arg5: memref<128xi32, #tpu.memory_space<vmem>>, %arg6: memref<128xi32, #tpu.memory_space<vmem>>, %arg7: memref<128xi32, #tpu.memory_space<vmem>>, %arg8: memref<128xi32, #tpu.memory_space<vmem>>, %arg9: memref<128x128xf32, #tpu.memory_space<vmem>>, %arg10: memref<128x128xf32, #tpu.memory_space<vmem>>, %arg11: memref<10240x128xf32, #tpu.memory_space<vmem_shared>>, %arg12: memref<!tpu.dma_semaphore, #tpu.memory_space<semaphore_mem>>, %arg13: memref<!tpu.dma_semaphore, #tpu.memory_space<semaphore_mem>>, %arg14: memref<!tpu.dma_semaphore, #tpu.memory_space<semaphore_mem>>, %arg15: memref<!tpu.dma_semaphore, #tpu.memory_space<semaphore_mem>>, %arg16: memref<!tpu.dma_semaphore, #tpu.memory_space<semaphore_mem>>, %arg17: memref<!tpu.dma_semaphore, #tpu.memory_space<semaphore_mem>>) attributes {dimension_semantics = [#tpu.dimension_semantics<core_parallel>, #tpu.dimension_semantics<subcore_parallel>], iteration_bounds = array<i64: 2, 16>, scalar_prefetch = 0 : i64, scratch_operands = 13 : i64, tpu.core_type = #tpu.core_type<sc_vector_subcore>, window_params = [{transform_indices = #map}, {transform_indices = #map1}, {transform_indices = #map1}]} {
    %mul3A = arith.constant 16 : i32
    %mul3A_0 = arith.muli %arg0, %mul3A : i32
    %add3A = arith.addi %mul3A_0, %arg1 : i32
    %scan3A = arith.constant 0 : i32
    %scan3A_1 = arith.constant 128 : i32
    %scan3A_2 = arith.addi %scan3A, %scan3A_1 : i32
    %scan3A_3 = arith.constant 1 : i32
    scf.for %scan3A_118 = %scan3A to %scan3A_2 step %scan3A_3  : i32 {
      %mul3A_119 = arith.constant 1 : i32
      %mul3A_120 = arith.muli %scan3A_118, %mul3A_119 : i32
      %add3A_121 = arith.constant 0 : i32
      %add3A_122 = arith.addi %add3A_121, %mul3A_120 : i32
      %scan3A_123 = arith.constant 0 : i32
      %scan3A_124 = arith.constant 8 : i32
      %scan3A_125 = arith.addi %scan3A_123, %scan3A_124 : i32
      %scan3A_126 = arith.constant 1 : i32
      scf.for %scan3A_128 = %scan3A_123 to %scan3A_125 step %scan3A_126  : i32 {
        %mul3A_129 = arith.constant 1 : i32
        %mul3A_130 = arith.muli %scan3A_128, %mul3A_129 : i32
        %add3A_131 = arith.constant 0 : i32
        %add3A_132 = arith.addi %add3A_131, %mul3A_130 : i32
        %broadcast_in_dim3A = arith.constant 0.000000e+00 : f32
        %broadcast_in_dim3A_133 = vector.broadcast %broadcast_in_dim3A : f32 to vector<16xf32>
        %mul3A_134 = arith.constant 16 : i32
        %mul3A_135 = arith.muli %add3A_132, %mul3A_134 : i32
        %swap3A = arith.index_cast %add3A_122 : i32 to index
        %swap3A_136 = arith.index_cast %mul3A_135 : i32 to index
        %swap3A_137 = tpu.vector_load %arg9[%swap3A, %swap3A_136] {strides = array<i32>} : memref<128x128xf32, #tpu.memory_space<vmem>>, vector<1x16xf32>,
        %swap3A_138 = vector.shape_cast %swap3A_137 : vector<1x16xf32> to vector<16xf32>
        %swap3A_139 = vector.shape_cast %broadcast_in_dim3A_133 : vector<16xf32> to vector<1x16xf32>
        tpu.vector_store %arg9[%swap3A, %swap3A_136], %swap3A_139 {strides = array<i32>} : memref<128x128xf32, #tpu.memory_space<vmem>>, vector<1x16xf32>,
      }
      %scan3A_127 = arith.constant 8 : i32
    }
    %scan3A_4 = arith.constant 128 : i32
    %scan3A_5 = arith.constant 0 : i32
    %scan3A_6 = arith.constant 5 : i32
    %scan3A_7 = arith.addi %scan3A_5, %scan3A_6 : i32
    %scan3A_8 = arith.constant 1 : i32
    scf.for %scan3A_118 = %scan3A_5 to %scan3A_7 step %scan3A_8  : i32 {
      %mul3A_119 = arith.constant 1 : i32
      %mul3A_120 = arith.muli %scan3A_118, %mul3A_119 : i32
      %add3A_121 = arith.constant 0 : i32
      %add3A_122 = arith.addi %add3A_121, %mul3A_120 : i32
      %mul3A_123 = arith.constant 640 : i32
      %mul3A_124 = arith.muli %arg1, %mul3A_123 : i32
      %mul3A_125 = arith.constant 128 : i32
      %mul3A_126 = arith.muli %add3A_122, %mul3A_125 : i32
      %add3A_127 = arith.addi %mul3A_124, %mul3A_126 : i32
      "tpu.region"() ({
        %run_scoped3A = tpu.sem_alloc : memref<!tpu.dma_semaphore, #tpu.memory_space<semaphore_mem>>
        %dma_start3A_128 = arith.constant 0 : i32
        %dma_start3A_129 = tpu.memref_slice %arg11[%add3A_127, %dma_start3A_128] : memref<10240x128xf32, #tpu.memory_space<vmem_shared>> -> memref<128x128xf32, #tpu.memory_space<vmem_shared>>
        %dma_start3A_130 = arith.constant 0 : i32
        %dma_start3A_131 = tpu.memref_slice %arg11[%add3A_127, %dma_start3A_130] : memref<10240x128xf32, #tpu.memory_space<vmem_shared>> -> memref<128x128xf32, #tpu.memory_space<vmem_shared>>
        tpu.enqueue_dma source(%arg9 : memref<128x128xf32, #tpu.memory_space<vmem>>) target(%dma_start3A_131 : memref<128x128xf32, #tpu.memory_space<vmem_shared>>) target_semaphore(%run_scoped3A : memref<!tpu.dma_semaphore, #tpu.memory_space<semaphore_mem>>)
        %dma_wait3A_132 = arith.constant 0 : i32
        %dma_wait3A_133 = tpu.memref_slice %arg11[%add3A_127, %dma_wait3A_132] : memref<10240x128xf32, #tpu.memory_space<vmem_shared>> -> memref<128x128xf32, #tpu.memory_space<vmem_shared>>
        %dma_wait3A_134 = arith.constant 0 : i32
        %dma_wait3A_135 = tpu.memref_slice %arg11[%add3A_127, %dma_wait3A_134] : memref<10240x128xf32, #tpu.memory_space<vmem_shared>> -> memref<128x128xf32, #tpu.memory_space<vmem_shared>>
        tpu.wait_dma2 semaphore(%run_scoped3A : memref<!tpu.dma_semaphore, #tpu.memory_space<semaphore_mem>>) src(%arg9 : memref<128x128xf32, #tpu.memory_space<vmem>>) dst(%dma_wait3A_135 : memref<128x128xf32, #tpu.memory_space<vmem_shared>>)
        tpu.yield
      }) : () -> ()
    }
    %scan3A_9 = arith.constant 5 : i32
    %barrier3A = arith.constant 0 : index
    tpu.barrier barrier_id(%barrier3A)
    %mul3A_10 = arith.constant 80 : i32
    %mul3A_11 = arith.muli %add3A, %mul3A_10 : i32
    %add3A_12 = arith.constant 0 : i32
    %add3A_13 = arith.addi %mul3A_11, %add3A_12 : i32
    %dma_start3A = arith.constant 0 : i32
    %dma_start3A_14 = arith.constant 0 : i32
    %dma_start3A_15 = tpu.memref_slice %arg3[%dma_start3A, %add3A_13, %dma_start3A_14] : memref<2x2560x128xi32, #tpu.memory_space<hbm>> -> memref<1x1x128xi32, #tpu.memory_space<hbm>>
    %dma_start3A_16 = tpu.memref_squeeze %dma_start3A_15 : memref<1x1x128xi32, #tpu.memory_space<hbm>> -> memref<128xi32, #tpu.memory_space<hbm>>
    %dma_start3A_17 = arith.constant 0 : i32
    %dma_start3A_18 = tpu.memref_slice %arg3[%dma_start3A, %add3A_13, %dma_start3A_17] : memref<2x2560x128xi32, #tpu.memory_space<hbm>> -> memref<1x1x128xi32, #tpu.memory_space<hbm>>
    %dma_start3A_19 = tpu.memref_squeeze %dma_start3A_18 : memref<1x1x128xi32, #tpu.memory_space<hbm>> -> memref<128xi32, #tpu.memory_space<hbm>>
    tpu.enqueue_dma source(%dma_start3A_19 : memref<128xi32, #tpu.memory_space<hbm>>) target(%arg5 : memref<128xi32, #tpu.memory_space<vmem>>) target_semaphore(%arg12 : memref<!tpu.dma_semaphore, #tpu.memory_space<semaphore_mem>>)
    %mul3A_20 = arith.constant 80 : i32
    %mul3A_21 = arith.muli %add3A, %mul3A_20 : i32
    %add3A_22 = arith.constant 0 : i32
    %add3A_23 = arith.addi %mul3A_21, %add3A_22 : i32
    %dma_start3A_24 = arith.constant 1 : i32
    %dma_start3A_25 = arith.constant 0 : i32
    %dma_start3A_26 = tpu.memref_slice %arg3[%dma_start3A_24, %add3A_23, %dma_start3A_25] : memref<2x2560x128xi32, #tpu.memory_space<hbm>> -> memref<1x1x128xi32, #tpu.memory_space<hbm>>
    %dma_start3A_27 = tpu.memref_squeeze %dma_start3A_26 : memref<1x1x128xi32, #tpu.memory_space<hbm>> -> memref<128xi32, #tpu.memory_space<hbm>>
    %dma_start3A_28 = arith.constant 0 : i32
    %dma_start3A_29 = tpu.memref_slice %arg3[%dma_start3A_24, %add3A_23, %dma_start3A_28] : memref<2x2560x128xi32, #tpu.memory_space<hbm>> -> memref<1x1x128xi32, #tpu.memory_space<hbm>>
    %dma_start3A_30 = tpu.memref_squeeze %dma_start3A_29 : memref<1x1x128xi32, #tpu.memory_space<hbm>> -> memref<128xi32, #tpu.memory_space<hbm>>
    tpu.enqueue_dma source(%dma_start3A_30 : memref<128xi32, #tpu.memory_space<hbm>>) target(%arg7 : memref<128xi32, #tpu.memory_space<vmem>>) target_semaphore(%arg14 : memref<!tpu.dma_semaphore, #tpu.memory_space<semaphore_mem>>)
    %mul3A_31 = arith.constant 80 : i32
    %mul3A_32 = arith.muli %add3A, %mul3A_31 : i32
    %add3A_33 = arith.constant 1 : i32
    %add3A_34 = arith.addi %mul3A_32, %add3A_33 : i32
    %dma_start3A_35 = arith.constant 0 : i32
    %dma_start3A_36 = arith.constant 0 : i32
    %dma_start3A_37 = tpu.memref_slice %arg3[%dma_start3A_35, %add3A_34, %dma_start3A_36] : memref<2x2560x128xi32, #tpu.memory_space<hbm>> -> memref<1x1x128xi32, #tpu.memory_space<hbm>>
    %dma_start3A_38 = tpu.memref_squeeze %dma_start3A_37 : memref<1x1x128xi32, #tpu.memory_space<hbm>> -> memref<128xi32, #tpu.memory_space<hbm>>
    %dma_start3A_39 = arith.constant 0 : i32
    %dma_start3A_40 = tpu.memref_slice %arg3[%dma_start3A_35, %add3A_34, %dma_start3A_39] : memref<2x2560x128xi32, #tpu.memory_space<hbm>> -> memref<1x1x128xi32, #tpu.memory_space<hbm>>
    %dma_start3A_41 = tpu.memref_squeeze %dma_start3A_40 : memref<1x1x128xi32, #tpu.memory_space<hbm>> -> memref<128xi32, #tpu.memory_space<hbm>>
    tpu.enqueue_dma source(%dma_start3A_41 : memref<128xi32, #tpu.memory_space<hbm>>) target(%arg6 : memref<128xi32, #tpu.memory_space<vmem>>) target_semaphore(%arg13 : memref<!tpu.dma_semaphore, #tpu.memory_space<semaphore_mem>>)
    %mul3A_42 = arith.constant 80 : i32
    %mul3A_43 = arith.muli %add3A, %mul3A_42 : i32
    %add3A_44 = arith.constant 1 : i32
    %add3A_45 = arith.addi %mul3A_43, %add3A_44 : i32
    %dma_start3A_46 = arith.constant 1 : i32
    %dma_start3A_47 = arith.constant 0 : i32
    %dma_start3A_48 = tpu.memref_slice %arg3[%dma_start3A_46, %add3A_45, %dma_start3A_47] : memref<2x2560x128xi32, #tpu.memory_space<hbm>> -> memref<1x1x128xi32, #tpu.memory_space<hbm>>
    %dma_start3A_49 = tpu.memref_squeeze %dma_start3A_48 : memref<1x1x128xi32, #tpu.memory_space<hbm>> -> memref<128xi32, #tpu.memory_space<hbm>>
    %dma_start3A_50 = arith.constant 0 : i32
    %dma_start3A_51 = tpu.memref_slice %arg3[%dma_start3A_46, %add3A_45, %dma_start3A_50] : memref<2x2560x128xi32, #tpu.memory_space<hbm>> -> memref<1x1x128xi32, #tpu.memory_space<hbm>>
    %dma_start3A_52 = tpu.memref_squeeze %dma_start3A_51 : memref<1x1x128xi32, #tpu.memory_space<hbm>> -> memref<128xi32, #tpu.memory_space<hbm>>
    tpu.enqueue_dma source(%dma_start3A_52 : memref<128xi32, #tpu.memory_space<hbm>>) target(%arg8 : memref<128xi32, #tpu.memory_space<vmem>>) target_semaphore(%arg15 : memref<!tpu.dma_semaphore, #tpu.memory_space<semaphore_mem>>)
    %mul3A_53 = arith.constant 80 : i32
    %mul3A_54 = arith.muli %add3A, %mul3A_53 : i32
    %add3A_55 = arith.constant 0 : i32
    %add3A_56 = arith.addi %mul3A_54, %add3A_55 : i32
    %dma_wait3A = arith.constant 0 : i32
    %dma_wait3A_57 = arith.constant 0 : i32
    %dma_wait3A_58 = tpu.memref_slice %arg3[%dma_wait3A, %add3A_56, %dma_wait3A_57] : memref<2x2560x128xi32, #tpu.memory_space<hbm>> -> memref<1x1x128xi32, #tpu.memory_space<hbm>>
    %dma_wait3A_59 = tpu.memref_squeeze %dma_wait3A_58 : memref<1x1x128xi32, #tpu.memory_space<hbm>> -> memref<128xi32, #tpu.memory_space<hbm>>
    %dma_wait3A_60 = arith.constant 0 : i32
    %dma_wait3A_61 = tpu.memref_slice %arg3[%dma_wait3A, %add3A_56, %dma_wait3A_60] : memref<2x2560x128xi32, #tpu.memory_space<hbm>> -> memref<1x1x128xi32, #tpu.memory_space<hbm>>
    %dma_wait3A_62 = tpu.memref_squeeze %dma_wait3A_61 : memref<1x1x128xi32, #tpu.memory_space<hbm>> -> memref<128xi32, #tpu.memory_space<hbm>>
    tpu.wait_dma2 semaphore(%arg12 : memref<!tpu.dma_semaphore, #tpu.memory_space<semaphore_mem>>) src(%dma_wait3A_62 : memref<128xi32, #tpu.memory_space<hbm>>) dst(%arg5 : memref<128xi32, #tpu.memory_space<vmem>>)
    %dma_start3A_63 = arith.constant 0 : i32
    %dma_start3A_64 = arith.constant 0 : i32
    %dma_start3A_65 = tpu.memref_slice %arg2[%dma_start3A_63, %dma_start3A_64] : memref<10000x128xf32, #tpu.memory_space<hbm>> -> memref<10000x128xf32, #tpu.memory_space<hbm>>
    tpu.enqueue_indirect_dma source(%dma_start3A_65 : memref<10000x128xf32, #tpu.memory_space<hbm>>) target(%arg9 : memref<128x128xf32, #tpu.memory_space<vmem>>) offsets(%arg5 : memref<128xi32, #tpu.memory_space<vmem>>) semaphore(%arg16 : memref<!tpu.dma_semaphore, #tpu.memory_space<semaphore_mem>>)
    %mul3A_66 = arith.constant 80 : i32
    %mul3A_67 = arith.muli %add3A, %mul3A_66 : i32
    %add3A_68 = arith.constant 1 : i32
    %add3A_69 = arith.addi %mul3A_67, %add3A_68 : i32
    %dma_wait3A_70 = arith.constant 0 : i32
    %dma_wait3A_71 = arith.constant 0 : i32
    %dma_wait3A_72 = tpu.memref_slice %arg3[%dma_wait3A_70, %add3A_69, %dma_wait3A_71] : memref<2x2560x128xi32, #tpu.memory_space<hbm>> -> memref<1x1x128xi32, #tpu.memory_space<hbm>>
    %dma_wait3A_73 = tpu.memref_squeeze %dma_wait3A_72 : memref<1x1x128xi32, #tpu.memory_space<hbm>> -> memref<128xi32, #tpu.memory_space<hbm>>
    %dma_wait3A_74 = arith.constant 0 : i32
    %dma_wait3A_75 = tpu.memref_slice %arg3[%dma_wait3A_70, %add3A_69, %dma_wait3A_74] : memref<2x2560x128xi32, #tpu.memory_space<hbm>> -> memref<1x1x128xi32, #tpu.memory_space<hbm>>
    %dma_wait3A_76 = tpu.memref_squeeze %dma_wait3A_75 : memref<1x1x128xi32, #tpu.memory_space<hbm>> -> memref<128xi32, #tpu.memory_space<hbm>>
    tpu.wait_dma2 semaphore(%arg13 : memref<!tpu.dma_semaphore, #tpu.memory_space<semaphore_mem>>) src(%dma_wait3A_76 : memref<128xi32, #tpu.memory_space<hbm>>) dst(%arg6 : memref<128xi32, #tpu.memory_space<vmem>>)
    %dma_start3A_77 = arith.constant 0 : i32
    %dma_start3A_78 = arith.constant 0 : i32
    %dma_start3A_79 = tpu.memref_slice %arg2[%dma_start3A_77, %dma_start3A_78] : memref<10000x128xf32, #tpu.memory_space<hbm>> -> memref<10000x128xf32, #tpu.memory_space<hbm>>
    tpu.enqueue_indirect_dma source(%dma_start3A_79 : memref<10000x128xf32, #tpu.memory_space<hbm>>) target(%arg10 : memref<128x128xf32, #tpu.memory_space<vmem>>) offsets(%arg6 : memref<128xi32, #tpu.memory_space<vmem>>) semaphore(%arg17 : memref<!tpu.dma_semaphore, #tpu.memory_space<semaphore_mem>>)
    %scan3A_80 = arith.constant 0 : i32
    %scan3A_81 = arith.constant 39 : i32
    %scan3A_82 = arith.addi %scan3A_80, %scan3A_81 : i32
    %scan3A_83 = arith.constant 1 : i32
    scf.for %scan3A_118 = %scan3A_80 to %scan3A_82 step %scan3A_83  : i32 {
      %mul3A_119 = arith.constant 1 : i32
      %mul3A_120 = arith.muli %scan3A_118, %mul3A_119 : i32
      %add3A_121 = arith.constant 0 : i32
      %add3A_122 = arith.addi %add3A_121, %mul3A_120 : i32
      %mul3A_123 = arith.constant 2 : i32
      %mul3A_124 = arith.muli %add3A_122, %mul3A_123 : i32
      %dma_wait3A_125 = arith.constant 0 : i32
      %dma_wait3A_126 = arith.constant 0 : i32
      %dma_wait3A_127 = tpu.memref_slice %arg2[%dma_wait3A_125, %dma_wait3A_126] : memref<10000x128xf32, #tpu.memory_space<hbm>> -> memref<10000x128xf32, #tpu.memory_space<hbm>>
      tpu.wait_indirect_dma semaphore(%arg16 : memref<!tpu.dma_semaphore, #tpu.memory_space<semaphore_mem>>) src(%dma_wait3A_127 : memref<10000x128xf32, #tpu.memory_space<hbm>>) dst(%arg9 : memref<128x128xf32, #tpu.memory_space<vmem>>)
      %add3A_128 = arith.constant 0 : i32
      %add3A_129 = arith.addi %mul3A_124, %add3A_128 : i32
      %mul3A_130 = arith.constant 80 : i32
      %mul3A_131 = arith.muli %add3A, %mul3A_130 : i32
      %add3A_132 = arith.addi %mul3A_131, %add3A_129 : i32
      %dma_wait3A_133 = arith.constant 1 : i32
      %dma_wait3A_134 = arith.constant 0 : i32
      %dma_wait3A_135 = tpu.memref_slice %arg3[%dma_wait3A_133, %add3A_132, %dma_wait3A_134] : memref<2x2560x128xi32, #tpu.memory_space<hbm>> -> memref<1x1x128xi32, #tpu.memory_space<hbm>>
      %dma_wait3A_136 = tpu.memref_squeeze %dma_wait3A_135 : memref<1x1x128xi32, #tpu.memory_space<hbm>> -> memref<128xi32, #tpu.memory_space<hbm>>
      %dma_wait3A_137 = arith.constant 0 : i32
      %dma_wait3A_138 = tpu.memref_slice %arg3[%dma_wait3A_133, %add3A_132, %dma_wait3A_137] : memref<2x2560x128xi32, #tpu.memory_space<hbm>> -> memref<1x1x128xi32, #tpu.memory_space<hbm>>
      %dma_wait3A_139 = tpu.memref_squeeze %dma_wait3A_138 : memref<1x1x128xi32, #tpu.memory_space<hbm>> -> memref<128xi32, #tpu.memory_space<hbm>>
      tpu.wait_dma2 semaphore(%arg14 : memref<!tpu.dma_semaphore, #tpu.memory_space<semaphore_mem>>) src(%dma_wait3A_139 : memref<128xi32, #tpu.memory_space<hbm>>) dst(%arg7 : memref<128xi32, #tpu.memory_space<vmem>>)
      "tpu.region"() ({
        %run_scoped3A = tpu.sem_alloc : memref<!tpu.dma_semaphore, #tpu.memory_space<semaphore_mem>>
        %dma_start3A_245 = arith.constant 0 : i32
        %dma_start3A_246 = arith.constant 0 : i32
        %dma_start3A_247 = tpu.memref_slice %arg11[%dma_start3A_245, %dma_start3A_246] : memref<10240x128xf32, #tpu.memory_space<vmem_shared>> -> memref<10240x128xf32, #tpu.memory_space<vmem_shared>>
        tpu.enqueue_indirect_dma source(%arg9 : memref<128x128xf32, #tpu.memory_space<vmem>>) target(%dma_start3A_247 : memref<10240x128xf32, #tpu.memory_space<vmem_shared>>) offsets(%arg7 : memref<128xi32, #tpu.memory_space<vmem>>) semaphore(%run_scoped3A : memref<!tpu.dma_semaphore, #tpu.memory_space<semaphore_mem>>) {add = true}
        %dma_wait3A_248 = arith.constant 0 : i32
        %dma_wait3A_249 = arith.constant 0 : i32
        %dma_wait3A_250 = tpu.memref_slice %arg11[%dma_wait3A_248, %dma_wait3A_249] : memref<10240x128xf32, #tpu.memory_space<vmem_shared>> -> memref<10240x128xf32, #tpu.memory_space<vmem_shared>>
        tpu.wait_indirect_dma semaphore(%run_scoped3A : memref<!tpu.dma_semaphore, #tpu.memory_space<semaphore_mem>>) src(%arg9 : memref<128x128xf32, #tpu.memory_space<vmem>>) dst(%dma_wait3A_250 : memref<10240x128xf32, #tpu.memory_space<vmem_shared>>)
        tpu.yield
      }) : () -> ()
      %add3A_140 = arith.constant 2 : i32
      %add3A_141 = arith.addi %mul3A_124, %add3A_140 : i32
      %add3A_142 = arith.constant 0 : i32
      %add3A_143 = arith.addi %add3A_141, %add3A_142 : i32
      %mul3A_144 = arith.constant 80 : i32
      %mul3A_145 = arith.muli %add3A, %mul3A_144 : i32
      %add3A_146 = arith.addi %mul3A_145, %add3A_143 : i32
      %dma_start3A_147 = arith.constant 0 : i32
      %dma_start3A_148 = arith.constant 0 : i32
      %dma_start3A_149 = tpu.memref_slice %arg3[%dma_start3A_147, %add3A_146, %dma_start3A_148] : memref<2x2560x128xi32, #tpu.memory_space<hbm>> -> memref<1x1x128xi32, #tpu.memory_space<hbm>>
      %dma_start3A_150 = tpu.memref_squeeze %dma_start3A_149 : memref<1x1x128xi32, #tpu.memory_space<hbm>> -> memref<128xi32, #tpu.memory_space<hbm>>
      %dma_start3A_151 = arith.constant 0 : i32
      %dma_start3A_152 = tpu.memref_slice %arg3[%dma_start3A_147, %add3A_146, %dma_start3A_151] : memref<2x2560x128xi32, #tpu.memory_space<hbm>> -> memref<1x1x128xi32, #tpu.memory_space<hbm>>
      %dma_start3A_153 = tpu.memref_squeeze %dma_start3A_152 : memref<1x1x128xi32, #tpu.memory_space<hbm>> -> memref<128xi32, #tpu.memory_space<hbm>>
      tpu.enqueue_dma source(%dma_start3A_153 : memref<128xi32, #tpu.memory_space<hbm>>) target(%arg5 : memref<128xi32, #tpu.memory_space<vmem>>) target_semaphore(%arg12 : memref<!tpu.dma_semaphore, #tpu.memory_space<semaphore_mem>>)
      %add3A_154 = arith.constant 2 : i32
      %add3A_155 = arith.addi %mul3A_124, %add3A_154 : i32
      %add3A_156 = arith.constant 0 : i32
      %add3A_157 = arith.addi %add3A_155, %add3A_156 : i32
      %mul3A_158 = arith.constant 80 : i32
      %mul3A_159 = arith.muli %add3A, %mul3A_158 : i32
      %add3A_160 = arith.addi %mul3A_159, %add3A_157 : i32
      %dma_start3A_161 = arith.constant 1 : i32
      %dma_start3A_162 = arith.constant 0 : i32
      %dma_start3A_163 = tpu.memref_slice %arg3[%dma_start3A_161, %add3A_160, %dma_start3A_162] : memref<2x2560x128xi32, #tpu.memory_space<hbm>> -> memref<1x1x128xi32, #tpu.memory_space<hbm>>
      %dma_start3A_164 = tpu.memref_squeeze %dma_start3A_163 : memref<1x1x128xi32, #tpu.memory_space<hbm>> -> memref<128xi32, #tpu.memory_space<hbm>>
      %dma_start3A_165 = arith.constant 0 : i32
      %dma_start3A_166 = tpu.memref_slice %arg3[%dma_start3A_161, %add3A_160, %dma_start3A_165] : memref<2x2560x128xi32, #tpu.memory_space<hbm>> -> memref<1x1x128xi32, #tpu.memory_space<hbm>>
      %dma_start3A_167 = tpu.memref_squeeze %dma_start3A_166 : memref<1x1x128xi32, #tpu.memory_space<hbm>> -> memref<128xi32, #tpu.memory_space<hbm>>
      tpu.enqueue_dma source(%dma_start3A_167 : memref<128xi32, #tpu.memory_space<hbm>>) target(%arg7 : memref<128xi32, #tpu.memory_space<vmem>>) target_semaphore(%arg14 : memref<!tpu.dma_semaphore, #tpu.memory_space<semaphore_mem>>)
      %dma_wait3A_168 = arith.constant 0 : i32
      %dma_wait3A_169 = arith.constant 0 : i32
      %dma_wait3A_170 = tpu.memref_slice %arg2[%dma_wait3A_168, %dma_wait3A_169] : memref<10000x128xf32, #tpu.memory_space<hbm>> -> memref<10000x128xf32, #tpu.memory_space<hbm>>
      tpu.wait_indirect_dma semaphore(%arg17 : memref<!tpu.dma_semaphore, #tpu.memory_space<semaphore_mem>>) src(%dma_wait3A_170 : memref<10000x128xf32, #tpu.memory_space<hbm>>) dst(%arg10 : memref<128x128xf32, #tpu.memory_space<vmem>>)
      %add3A_171 = arith.constant 1 : i32
      %add3A_172 = arith.addi %mul3A_124, %add3A_171 : i32
      %mul3A_173 = arith.constant 80 : i32
      %mul3A_174 = arith.muli %add3A, %mul3A_173 : i32
      %add3A_175 = arith.addi %mul3A_174, %add3A_172 : i32
      %dma_wait3A_176 = arith.constant 1 : i32
      %dma_wait3A_177 = arith.constant 0 : i32
      %dma_wait3A_178 = tpu.memref_slice %arg3[%dma_wait3A_176, %add3A_175, %dma_wait3A_177] : memref<2x2560x128xi32, #tpu.memory_space<hbm>> -> memref<1x1x128xi32, #tpu.memory_space<hbm>>
      %dma_wait3A_179 = tpu.memref_squeeze %dma_wait3A_178 : memref<1x1x128xi32, #tpu.memory_space<hbm>> -> memref<128xi32, #tpu.memory_space<hbm>>
      %dma_wait3A_180 = arith.constant 0 : i32
      %dma_wait3A_181 = tpu.memref_slice %arg3[%dma_wait3A_176, %add3A_175, %dma_wait3A_180] : memref<2x2560x128xi32, #tpu.memory_space<hbm>> -> memref<1x1x128xi32, #tpu.memory_space<hbm>>
      %dma_wait3A_182 = tpu.memref_squeeze %dma_wait3A_181 : memref<1x1x128xi32, #tpu.memory_space<hbm>> -> memref<128xi32, #tpu.memory_space<hbm>>
      tpu.wait_dma2 semaphore(%arg15 : memref<!tpu.dma_semaphore, #tpu.memory_space<semaphore_mem>>) src(%dma_wait3A_182 : memref<128xi32, #tpu.memory_space<hbm>>) dst(%arg8 : memref<128xi32, #tpu.memory_space<vmem>>)
      "tpu.region"() ({
        %run_scoped3A = tpu.sem_alloc : memref<!tpu.dma_semaphore, #tpu.memory_space<semaphore_mem>>
        %dma_start3A_245 = arith.constant 0 : i32
        %dma_start3A_246 = arith.constant 0 : i32
        %dma_start3A_247 = tpu.memref_slice %arg11[%dma_start3A_245, %dma_start3A_246] : memref<10240x128xf32, #tpu.memory_space<vmem_shared>> -> memref<10240x128xf32, #tpu.memory_space<vmem_shared>>
        tpu.enqueue_indirect_dma source(%arg10 : memref<128x128xf32, #tpu.memory_space<vmem>>) target(%dma_start3A_247 : memref<10240x128xf32, #tpu.memory_space<vmem_shared>>) offsets(%arg8 : memref<128xi32, #tpu.memory_space<vmem>>) semaphore(%run_scoped3A : memref<!tpu.dma_semaphore, #tpu.memory_space<semaphore_mem>>) {add = true}
        %dma_wait3A_248 = arith.constant 0 : i32
        %dma_wait3A_249 = arith.constant 0 : i32
        %dma_wait3A_250 = tpu.memref_slice %arg11[%dma_wait3A_248, %dma_wait3A_249] : memref<10240x128xf32, #tpu.memory_space<vmem_shared>> -> memref<10240x128xf32, #tpu.memory_space<vmem_shared>>
        tpu.wait_indirect_dma semaphore(%run_scoped3A : memref<!tpu.dma_semaphore, #tpu.memory_space<semaphore_mem>>) src(%arg10 : memref<128x128xf32, #tpu.memory_space<vmem>>) dst(%dma_wait3A_250 : memref<10240x128xf32, #tpu.memory_space<vmem_shared>>)
        tpu.yield
      }) : () -> ()
      %add3A_183 = arith.constant 2 : i32
      %add3A_184 = arith.addi %mul3A_124, %add3A_183 : i32
      %add3A_185 = arith.constant 1 : i32
      %add3A_186 = arith.addi %add3A_184, %add3A_185 : i32
      %mul3A_187 = arith.constant 80 : i32
      %mul3A_188 = arith.muli %add3A, %mul3A_187 : i32
      %add3A_189 = arith.addi %mul3A_188, %add3A_186 : i32
      %dma_start3A_190 = arith.constant 0 : i32
      %dma_start3A_191 = arith.constant 0 : i32
      %dma_start3A_192 = tpu.memref_slice %arg3[%dma_start3A_190, %add3A_189, %dma_start3A_191] : memref<2x2560x128xi32, #tpu.memory_space<hbm>> -> memref<1x1x128xi32, #tpu.memory_space<hbm>>
      %dma_start3A_193 = tpu.memref_squeeze %dma_start3A_192 : memref<1x1x128xi32, #tpu.memory_space<hbm>> -> memref<128xi32, #tpu.memory_space<hbm>>
      %dma_start3A_194 = arith.constant 0 : i32
      %dma_start3A_195 = tpu.memref_slice %arg3[%dma_start3A_190, %add3A_189, %dma_start3A_194] : memref<2x2560x128xi32, #tpu.memory_space<hbm>> -> memref<1x1x128xi32, #tpu.memory_space<hbm>>
      %dma_start3A_196 = tpu.memref_squeeze %dma_start3A_195 : memref<1x1x128xi32, #tpu.memory_space<hbm>> -> memref<128xi32, #tpu.memory_space<hbm>>
      tpu.enqueue_dma source(%dma_start3A_196 : memref<128xi32, #tpu.memory_space<hbm>>) target(%arg6 : memref<128xi32, #tpu.memory_space<vmem>>) target_semaphore(%arg13 : memref<!tpu.dma_semaphore, #tpu.memory_space<semaphore_mem>>)
      %add3A_197 = arith.constant 2 : i32
      %add3A_198 = arith.addi %mul3A_124, %add3A_197 : i32
      %add3A_199 = arith.constant 1 : i32
      %add3A_200 = arith.addi %add3A_198, %add3A_199 : i32
      %mul3A_201 = arith.constant 80 : i32
      %mul3A_202 = arith.muli %add3A, %mul3A_201 : i32
      %add3A_203 = arith.addi %mul3A_202, %add3A_200 : i32
      %dma_start3A_204 = arith.constant 1 : i32
      %dma_start3A_205 = arith.constant 0 : i32
      %dma_start3A_206 = tpu.memref_slice %arg3[%dma_start3A_204, %add3A_203, %dma_start3A_205] : memref<2x2560x128xi32, #tpu.memory_space<hbm>> -> memref<1x1x128xi32, #tpu.memory_space<hbm>>
      %dma_start3A_207 = tpu.memref_squeeze %dma_start3A_206 : memref<1x1x128xi32, #tpu.memory_space<hbm>> -> memref<128xi32, #tpu.memory_space<hbm>>
      %dma_start3A_208 = arith.constant 0 : i32
      %dma_start3A_209 = tpu.memref_slice %arg3[%dma_start3A_204, %add3A_203, %dma_start3A_208] : memref<2x2560x128xi32, #tpu.memory_space<hbm>> -> memref<1x1x128xi32, #tpu.memory_space<hbm>>
      %dma_start3A_210 = tpu.memref_squeeze %dma_start3A_209 : memref<1x1x128xi32, #tpu.memory_space<hbm>> -> memref<128xi32, #tpu.memory_space<hbm>>
      tpu.enqueue_dma source(%dma_start3A_210 : memref<128xi32, #tpu.memory_space<hbm>>) target(%arg8 : memref<128xi32, #tpu.memory_space<vmem>>) target_semaphore(%arg15 : memref<!tpu.dma_semaphore, #tpu.memory_space<semaphore_mem>>)
      %add3A_211 = arith.constant 2 : i32
      %add3A_212 = arith.addi %mul3A_124, %add3A_211 : i32
      %add3A_213 = arith.constant 0 : i32
      %add3A_214 = arith.addi %add3A_212, %add3A_213 : i32
      %mul3A_215 = arith.constant 80 : i32
      %mul3A_216 = arith.muli %add3A, %mul3A_215 : i32
      %add3A_217 = arith.addi %mul3A_216, %add3A_214 : i32
      %dma_wait3A_218 = arith.constant 0 : i32
      %dma_wait3A_219 = arith.constant 0 : i32
      %dma_wait3A_220 = tpu.memref_slice %arg3[%dma_wait3A_218, %add3A_217, %dma_wait3A_219] : memref<2x2560x128xi32, #tpu.memory_space<hbm>> -> memref<1x1x128xi32, #tpu.memory_space<hbm>>
      %dma_wait3A_221 = tpu.memref_squeeze %dma_wait3A_220 : memref<1x1x128xi32, #tpu.memory_space<hbm>> -> memref<128xi32, #tpu.memory_space<hbm>>
      %dma_wait3A_222 = arith.constant 0 : i32
      %dma_wait3A_223 = tpu.memref_slice %arg3[%dma_wait3A_218, %add3A_217, %dma_wait3A_222] : memref<2x2560x128xi32, #tpu.memory_space<hbm>> -> memref<1x1x128xi32, #tpu.memory_space<hbm>>
      %dma_wait3A_224 = tpu.memref_squeeze %dma_wait3A_223 : memref<1x1x128xi32, #tpu.memory_space<hbm>> -> memref<128xi32, #tpu.memory_space<hbm>>
      tpu.wait_dma2 semaphore(%arg12 : memref<!tpu.dma_semaphore, #tpu.memory_space<semaphore_mem>>) src(%dma_wait3A_224 : memref<128xi32, #tpu.memory_space<hbm>>) dst(%arg5 : memref<128xi32, #tpu.memory_space<vmem>>)
      %dma_start3A_225 = arith.constant 0 : i32
      %dma_start3A_226 = arith.constant 0 : i32
      %dma_start3A_227 = tpu.memref_slice %arg2[%dma_start3A_225, %dma_start3A_226] : memref<10000x128xf32, #tpu.memory_space<hbm>> -> memref<10000x128xf32, #tpu.memory_space<hbm>>
      tpu.enqueue_indirect_dma source(%dma_start3A_227 : memref<10000x128xf32, #tpu.memory_space<hbm>>) target(%arg9 : memref<128x128xf32, #tpu.memory_space<vmem>>) offsets(%arg5 : memref<128xi32, #tpu.memory_space<vmem>>) semaphore(%arg16 : memref<!tpu.dma_semaphore, #tpu.memory_space<semaphore_mem>>)
      %add3A_228 = arith.constant 2 : i32
      %add3A_229 = arith.addi %mul3A_124, %add3A_228 : i32
      %add3A_230 = arith.constant 1 : i32
      %add3A_231 = arith.addi %add3A_229, %add3A_230 : i32
      %mul3A_232 = arith.constant 80 : i32
      %mul3A_233 = arith.muli %add3A, %mul3A_232 : i32
      %add3A_234 = arith.addi %mul3A_233, %add3A_231 : i32
      %dma_wait3A_235 = arith.constant 0 : i32
      %dma_wait3A_236 = arith.constant 0 : i32
      %dma_wait3A_237 = tpu.memref_slice %arg3[%dma_wait3A_235, %add3A_234, %dma_wait3A_236] : memref<2x2560x128xi32, #tpu.memory_space<hbm>> -> memref<1x1x128xi32, #tpu.memory_space<hbm>>
      %dma_wait3A_238 = tpu.memref_squeeze %dma_wait3A_237 : memref<1x1x128xi32, #tpu.memory_space<hbm>> -> memref<128xi32, #tpu.memory_space<hbm>>
      %dma_wait3A_239 = arith.constant 0 : i32
      %dma_wait3A_240 = tpu.memref_slice %arg3[%dma_wait3A_235, %add3A_234, %dma_wait3A_239] : memref<2x2560x128xi32, #tpu.memory_space<hbm>> -> memref<1x1x128xi32, #tpu.memory_space<hbm>>
      %dma_wait3A_241 = tpu.memref_squeeze %dma_wait3A_240 : memref<1x1x128xi32, #tpu.memory_space<hbm>> -> memref<128xi32, #tpu.memory_space<hbm>>
      tpu.wait_dma2 semaphore(%arg13 : memref<!tpu.dma_semaphore, #tpu.memory_space<semaphore_mem>>) src(%dma_wait3A_241 : memref<128xi32, #tpu.memory_space<hbm>>) dst(%arg6 : memref<128xi32, #tpu.memory_space<vmem>>)
      %dma_start3A_242 = arith.constant 0 : i32
      %dma_start3A_243 = arith.constant 0 : i32
      %dma_start3A_244 = tpu.memref_slice %arg2[%dma_start3A_242, %dma_start3A_243] : memref<10000x128xf32, #tpu.memory_space<hbm>> -> memref<10000x128xf32, #tpu.memory_space<hbm>>
      tpu.enqueue_indirect_dma source(%dma_start3A_244 : memref<10000x128xf32, #tpu.memory_space<hbm>>) target(%arg10 : memref<128x128xf32, #tpu.memory_space<vmem>>) offsets(%arg6 : memref<128xi32, #tpu.memory_space<vmem>>) semaphore(%arg17 : memref<!tpu.dma_semaphore, #tpu.memory_space<semaphore_mem>>)
    }
    %scan3A_84 = arith.constant 39 : i32
    %dma_wait3A_85 = arith.constant 0 : i32
    %dma_wait3A_86 = arith.constant 0 : i32
    %dma_wait3A_87 = tpu.memref_slice %arg2[%dma_wait3A_85, %dma_wait3A_86] : memref<10000x128xf32, #tpu.memory_space<hbm>> -> memref<10000x128xf32, #tpu.memory_space<hbm>>
    tpu.wait_indirect_dma semaphore(%arg16 : memref<!tpu.dma_semaphore, #tpu.memory_space<semaphore_mem>>) src(%dma_wait3A_87 : memref<10000x128xf32, #tpu.memory_space<hbm>>) dst(%arg9 : memref<128x128xf32, #tpu.memory_space<vmem>>)
    %mul3A_88 = arith.constant 80 : i32
    %mul3A_89 = arith.muli %add3A, %mul3A_88 : i32
    %add3A_90 = arith.constant 78 : i32
    %add3A_91 = arith.addi %mul3A_89, %add3A_90 : i32
    %dma_wait3A_92 = arith.constant 1 : i32
    %dma_wait3A_93 = arith.constant 0 : i32
    %dma_wait3A_94 = tpu.memref_slice %arg3[%dma_wait3A_92, %add3A_91, %dma_wait3A_93] : memref<2x2560x128xi32, #tpu.memory_space<hbm>> -> memref<1x1x128xi32, #tpu.memory_space<hbm>>
    %dma_wait3A_95 = tpu.memref_squeeze %dma_wait3A_94 : memref<1x1x128xi32, #tpu.memory_space<hbm>> -> memref<128xi32, #tpu.memory_space<hbm>>
    %dma_wait3A_96 = arith.constant 0 : i32
    %dma_wait3A_97 = tpu.memref_slice %arg3[%dma_wait3A_92, %add3A_91, %dma_wait3A_96] : memref<2x2560x128xi32, #tpu.memory_space<hbm>> -> memref<1x1x128xi32, #tpu.memory_space<hbm>>
    %dma_wait3A_98 = tpu.memref_squeeze %dma_wait3A_97 : memref<1x1x128xi32, #tpu.memory_space<hbm>> -> memref<128xi32, #tpu.memory_space<hbm>>
    tpu.wait_dma2 semaphore(%arg14 : memref<!tpu.dma_semaphore, #tpu.memory_space<semaphore_mem>>) src(%dma_wait3A_98 : memref<128xi32, #tpu.memory_space<hbm>>) dst(%arg7 : memref<128xi32, #tpu.memory_space<vmem>>)
    "tpu.region"() ({
      %run_scoped3A = tpu.sem_alloc : memref<!tpu.dma_semaphore, #tpu.memory_space<semaphore_mem>>
      %dma_start3A_118 = arith.constant 0 : i32
      %dma_start3A_119 = arith.constant 0 : i32
      %dma_start3A_120 = tpu.memref_slice %arg11[%dma_start3A_118, %dma_start3A_119] : memref<10240x128xf32, #tpu.memory_space<vmem_shared>> -> memref<10240x128xf32, #tpu.memory_space<vmem_shared>>
      tpu.enqueue_indirect_dma source(%arg9 : memref<128x128xf32, #tpu.memory_space<vmem>>) target(%dma_start3A_120 : memref<10240x128xf32, #tpu.memory_space<vmem_shared>>) offsets(%arg7 : memref<128xi32, #tpu.memory_space<vmem>>) semaphore(%run_scoped3A : memref<!tpu.dma_semaphore, #tpu.memory_space<semaphore_mem>>) {add = true}
      %dma_wait3A_121 = arith.constant 0 : i32
      %dma_wait3A_122 = arith.constant 0 : i32
      %dma_wait3A_123 = tpu.memref_slice %arg11[%dma_wait3A_121, %dma_wait3A_122] : memref<10240x128xf32, #tpu.memory_space<vmem_shared>> -> memref<10240x128xf32, #tpu.memory_space<vmem_shared>>
      tpu.wait_indirect_dma semaphore(%run_scoped3A : memref<!tpu.dma_semaphore, #tpu.memory_space<semaphore_mem>>) src(%arg9 : memref<128x128xf32, #tpu.memory_space<vmem>>) dst(%dma_wait3A_123 : memref<10240x128xf32, #tpu.memory_space<vmem_shared>>)
      tpu.yield
    }) : () -> ()
    %dma_wait3A_99 = arith.constant 0 : i32
    %dma_wait3A_100 = arith.constant 0 : i32
    %dma_wait3A_101 = tpu.memref_slice %arg2[%dma_wait3A_99, %dma_wait3A_100] : memref<10000x128xf32, #tpu.memory_space<hbm>> -> memref<10000x128xf32, #tpu.memory_space<hbm>>
    tpu.wait_indirect_dma semaphore(%arg17 : memref<!tpu.dma_semaphore, #tpu.memory_space<semaphore_mem>>) src(%dma_wait3A_101 : memref<10000x128xf32, #tpu.memory_space<hbm>>) dst(%arg10 : memref<128x128xf32, #tpu.memory_space<vmem>>)
    %mul3A_102 = arith.constant 80 : i32
    %mul3A_103 = arith.muli %add3A, %mul3A_102 : i32
    %add3A_104 = arith.constant 79 : i32
    %add3A_105 = arith.addi %mul3A_103, %add3A_104 : i32
    %dma_wait3A_106 = arith.constant 1 : i32
    %dma_wait3A_107 = arith.constant 0 : i32
    %dma_wait3A_108 = tpu.memref_slice %arg3[%dma_wait3A_106, %add3A_105, %dma_wait3A_107] : memref<2x2560x128xi32, #tpu.memory_space<hbm>> -> memref<1x1x128xi32, #tpu.memory_space<hbm>>
    %dma_wait3A_109 = tpu.memref_squeeze %dma_wait3A_108 : memref<1x1x128xi32, #tpu.memory_space<hbm>> -> memref<128xi32, #tpu.memory_space<hbm>>
    %dma_wait3A_110 = arith.constant 0 : i32
    %dma_wait3A_111 = tpu.memref_slice %arg3[%dma_wait3A_106, %add3A_105, %dma_wait3A_110] : memref<2x2560x128xi32, #tpu.memory_space<hbm>> -> memref<1x1x128xi32, #tpu.memory_space<hbm>>
    %dma_wait3A_112 = tpu.memref_squeeze %dma_wait3A_111 : memref<1x1x128xi32, #tpu.memory_space<hbm>> -> memref<128xi32, #tpu.memory_space<hbm>>
    tpu.wait_dma2 semaphore(%arg15 : memref<!tpu.dma_semaphore, #tpu.memory_space<semaphore_mem>>) src(%dma_wait3A_112 : memref<128xi32, #tpu.memory_space<hbm>>) dst(%arg8 : memref<128xi32, #tpu.memory_space<vmem>>)
    "tpu.region"() ({
      %run_scoped3A = tpu.sem_alloc : memref<!tpu.dma_semaphore, #tpu.memory_space<semaphore_mem>>
      %dma_start3A_118 = arith.constant 0 : i32
      %dma_start3A_119 = arith.constant 0 : i32
      %dma_start3A_120 = tpu.memref_slice %arg11[%dma_start3A_118, %dma_start3A_119] : memref<10240x128xf32, #tpu.memory_space<vmem_shared>> -> memref<10240x128xf32, #tpu.memory_space<vmem_shared>>
      tpu.enqueue_indirect_dma source(%arg10 : memref<128x128xf32, #tpu.memory_space<vmem>>) target(%dma_start3A_120 : memref<10240x128xf32, #tpu.memory_space<vmem_shared>>) offsets(%arg8 : memref<128xi32, #tpu.memory_space<vmem>>) semaphore(%run_scoped3A : memref<!tpu.dma_semaphore, #tpu.memory_space<semaphore_mem>>) {add = true}
      %dma_wait3A_121 = arith.constant 0 : i32
      %dma_wait3A_122 = arith.constant 0 : i32
      %dma_wait3A_123 = tpu.memref_slice %arg11[%dma_wait3A_121, %dma_wait3A_122] : memref<10240x128xf32, #tpu.memory_space<vmem_shared>> -> memref<10240x128xf32, #tpu.memory_space<vmem_shared>>
      tpu.wait_indirect_dma semaphore(%run_scoped3A : memref<!tpu.dma_semaphore, #tpu.memory_space<semaphore_mem>>) src(%arg10 : memref<128x128xf32, #tpu.memory_space<vmem>>) dst(%dma_wait3A_123 : memref<10240x128xf32, #tpu.memory_space<vmem_shared>>)
      tpu.yield
    }) : () -> ()
    %barrier3A_113 = arith.constant 0 : index
    tpu.barrier barrier_id(%barrier3A_113)
    %mul3A_114 = arith.constant 640 : i32
    %mul3A_115 = arith.muli %arg1, %mul3A_114 : i32
    %mul3A_116 = arith.constant 640 : i32
    %mul3A_117 = arith.muli %arg1, %mul3A_116 : i32
    "tpu.region"() ({
      %run_scoped3A = tpu.sem_alloc : memref<!tpu.dma_semaphore, #tpu.memory_space<semaphore_mem>>
      %dma_start3A_118 = arith.constant 0 : i32
      %dma_start3A_119 = tpu.memref_slice %arg4[%arg0, %mul3A_117, %dma_start3A_118] : memref<2x10240x128xf32, #tpu.memory_space<hbm>> -> memref<1x640x128xf32, #tpu.memory_space<hbm>>
      %dma_start3A_120 = tpu.memref_squeeze %dma_start3A_119 : memref<1x640x128xf32, #tpu.memory_space<hbm>> -> memref<640x128xf32, #tpu.memory_space<hbm>>
      %dma_start3A_121 = arith.constant 0 : i32
      %dma_start3A_122 = tpu.memref_slice %arg11[%mul3A_115, %dma_start3A_121] : memref<10240x128xf32, #tpu.memory_space<vmem_shared>> -> memref<640x128xf32, #tpu.memory_space<vmem_shared>>
      tpu.enqueue_dma source(%dma_start3A_122 : memref<640x128xf32, #tpu.memory_space<vmem_shared>>) target(%dma_start3A_120 : memref<640x128xf32, #tpu.memory_space<hbm>>) target_semaphore(%run_scoped3A : memref<!tpu.dma_semaphore, #tpu.memory_space<semaphore_mem>>)
      %dma_wait3A_123 = arith.constant 0 : i32
      %dma_wait3A_124 = tpu.memref_slice %arg4[%arg0, %mul3A_117, %dma_wait3A_123] : memref<2x10240x128xf32, #tpu.memory_space<hbm>> -> memref<1x640x128xf32, #tpu.memory_space<hbm>>
      %dma_wait3A_125 = tpu.memref_squeeze %dma_wait3A_124 : memref<1x640x128xf32, #tpu.memory_space<hbm>> -> memref<640x128xf32, #tpu.memory_space<hbm>>
      %dma_wait3A_126 = arith.constant 0 : i32
      %dma_wait3A_127 = tpu.memref_slice %arg11[%mul3A_115, %dma_wait3A_126] : memref<10240x128xf32, #tpu.memory_space<vmem_shared>> -> memref<640x128xf32, #tpu.memory_space<vmem_shared>>
      tpu.wait_dma2 semaphore(%run_scoped3A : memref<!tpu.dma_semaphore, #tpu.memory_space<semaphore_mem>>) src(%dma_wait3A_127 : memref<640x128xf32, #tpu.memory_space<vmem_shared>>) dst(%dma_wait3A_125 : memref<640x128xf32, #tpu.memory_space<hbm>>)
      tpu.yield
    }) : () -> ()
    return
  }
}

module attributes {stable_mosaic.version = 14 : i64} {
  func.func @_repack_body(%arg0: memref<2x2500x128xi32, #tpu.memory_space<vmem>>, %arg1: memref<2x60x128xi32, #tpu.memory_space<vmem>>, %arg2: memref<2x2560x128xi32, #tpu.memory_space<vmem>>) attributes {dimension_semantics = [], scalar_prefetch = 0 : i64, scratch_operands = 0 : i64, tpu.core_type = #tpu.core_type<tc>} {
    %get3A = arith.constant 0 : index
    %get3A_0 = arith.constant 0 : index
    %get3A_1 = arith.constant 0 : index
    %get3A_2 = vector.load %arg0[%get3A, %get3A_0, %get3A_1] : memref<2x2500x128xi32, #tpu.memory_space<vmem>>, vector<2x2500x128xi32>
    %swap3A = arith.constant 0 : index
    %swap3A_3 = arith.constant 0 : index
    %swap3A_4 = arith.constant 0 : index
    %swap3A_5 = vector.load %arg2[%swap3A, %swap3A_3, %swap3A_4] : memref<2x2560x128xi32, #tpu.memory_space<vmem>>, vector<2x2500x128xi32>
    tpu.vector_store %arg2[%swap3A, %swap3A_3, %swap3A_4], %get3A_2 {strides = array<i32>} : memref<2x2560x128xi32, #tpu.memory_space<vmem>>, vector<2x2500x128xi32>,
    %get3A_6 = arith.constant 0 : index
    %get3A_7 = arith.constant 0 : index
    %get3A_8 = arith.constant 0 : index
    %get3A_9 = vector.load %arg1[%get3A_6, %get3A_7, %get3A_8] : memref<2x60x128xi32, #tpu.memory_space<vmem>>, vector<2x60x128xi32>
    %swap3A_10 = arith.constant 0 : index
    %swap3A_11 = arith.constant 2500 : index
    %swap3A_12 = arith.constant 0 : index
    %swap3A_13 = vector.load %arg2[%swap3A_10, %swap3A_11, %swap3A_12] : memref<2x2560x128xi32, #tpu.memory_space<vmem>>, vector<2x60x128xi32>
    tpu.vector_store %arg2[%swap3A_10, %swap3A_11, %swap3A_12], %get3A_9 {strides = array<i32>} : memref<2x2560x128xi32, #tpu.memory_space<vmem>>, vector<2x60x128xi32>,
    return
  }
}

module attributes {stable_mosaic.version = 14 : i64} {
  func.func @_prep_body(%arg0: i32, %arg1: memref<2048x128xf32, #tpu.memory_space<vmem>>, %arg2: memref<2x16x128xf32, #tpu.memory_space<vmem>>, %arg3: memref<2048x128xf32, #tpu.memory_space<vmem>>) attributes {dimension_semantics = [#tpu.dimension_semantics<arbitrary>], iteration_bounds = array<i64: 5>, scalar_prefetch = 0 : i64, scratch_operands = 0 : i64, tpu.core_type = #tpu.core_type<tc>, window_params = [{transform_indices = @transform_0, window_bounds = array<i64: 2048, 128>}, {transform_indices = @transform_1, window_bounds = array<i64: 2, 16, 128>}, {transform_indices = @transform_2, window_bounds = array<i64: 2048, 128>}]} {
    %get3A = arith.constant 0 : index
    %get3A_0 = arith.constant 0 : index
    %get3A_1 = arith.constant 0 : index
    %get3A_2 = vector.load %arg2[%get3A, %get3A_0, %get3A_1] : memref<2x16x128xf32, #tpu.memory_space<vmem>>, vector<1x16x128xf32>
    %get3A_3 = vector.shape_cast %get3A_2 : vector<1x16x128xf32> to vector<16x128xf32>
    %get3A_4 = arith.constant 1 : index
    %get3A_5 = arith.constant 0 : index
    %get3A_6 = arith.constant 0 : index
    %get3A_7 = vector.load %arg2[%get3A_4, %get3A_5, %get3A_6] : memref<2x16x128xf32, #tpu.memory_space<vmem>>, vector<1x16x128xf32>
    %get3A_8 = vector.shape_cast %get3A_7 : vector<1x16x128xf32> to vector<16x128xf32>
    %add3A = arith.addf %get3A_3, %get3A_8 : vector<16x128xf32>
    %add3A_9 = arith.constant 1.000000e+00 : f32
    %add3A_10 = vector.broadcast %add3A_9 : f32 to vector<16x128xf32>
    %add3A_11 = arith.addf %add3A, %add3A_10 : vector<16x128xf32>
    %rsqrt3A = math.rsqrt %add3A_11 : vector<16x128xf32>
    %get3A_12 = arith.constant 0 : index
    %get3A_13 = arith.constant 0 : index
    %get3A_14 = vector.load %arg1[%get3A_12, %get3A_13] : memref<2048x128xf32, #tpu.memory_space<vmem>>, vector<2048x128xf32>
    %iota3A = tpu.iota {dimensions = array<i32: 0>} : vector<128x128xi32>
    %iota3A_15 = tpu.iota {dimensions = array<i32: 1>} : vector<128x128xi32>
    %eq3A = arith.cmpi eq, %iota3A, %iota3A_15 : vector<128x128xi32>
    %convert_element_type3A = arith.extui %eq3A : vector<128x128xi1> to vector<128x128xi32>
    %convert_element_type3A_16 = arith.sitofp %convert_element_type3A : vector<128x128xi32> to vector<128x128xf32>
    %slice3A = vector.extract_strided_slice %rsqrt3A {offsets = [0, 0], sizes = [1, 128], strides = [1, 1]} : vector<16x128xf32> to vector<1x128xf32>
    %mul3A = vector.broadcast %slice3A : vector<1x128xf32> to vector<128x128xf32>
    %mul3A_17 = arith.mulf %convert_element_type3A_16, %mul3A : vector<128x128xf32>
    %slice3A_18 = vector.extract_strided_slice %get3A_14 {offsets = [0, 0], sizes = [128, 128], strides = [1, 1]} : vector<2048x128xf32> to vector<128x128xf32>
    %dot_general3A = arith.constant dense<0.000000e+00> : vector<128x128xf32>
    %dot_general3A_19 = tpu.matmul %mul3A_17, %slice3A_18, %dot_general3A {dimension_numbers = #tpu.dot_dimension_numbers<[1], [0], [0], [1], [0, 0, 1, 1], [], []>, precision = #tpu.contract_precision<fp32>, transpose_lhs_hint = false} : vector<128x128xf32>, vector<128x128xf32>, vector<128x128xf32> -> vector<128x128xf32>
    %slice3A_20 = vector.extract_strided_slice %rsqrt3A {offsets = [1, 0], sizes = [1, 128], strides = [1, 1]} : vector<16x128xf32> to vector<1x128xf32>
    %mul3A_21 = vector.broadcast %slice3A_20 : vector<1x128xf32> to vector<128x128xf32>
    %mul3A_22 = arith.mulf %convert_element_type3A_16, %mul3A_21 : vector<128x128xf32>
    %slice3A_23 = vector.extract_strided_slice %get3A_14 {offsets = [128, 0], sizes = [128, 128], strides = [1, 1]} : vector<2048x128xf32> to vector<128x128xf32>
    %dot_general3A_24 = arith.constant dense<0.000000e+00> : vector<128x128xf32>
    %dot_general3A_25 = tpu.matmul %mul3A_22, %slice3A_23, %dot_general3A_24 {dimension_numbers = #tpu.dot_dimension_numbers<[1], [0], [0], [1], [0, 0, 1, 1], [], []>, precision = #tpu.contract_precision<fp32>, transpose_lhs_hint = false} : vector<128x128xf32>, vector<128x128xf32>, vector<128x128xf32> -> vector<128x128xf32>
    %slice3A_26 = vector.extract_strided_slice %rsqrt3A {offsets = [2, 0], sizes = [1, 128], strides = [1, 1]} : vector<16x128xf32> to vector<1x128xf32>
    %mul3A_27 = vector.broadcast %slice3A_26 : vector<1x128xf32> to vector<128x128xf32>
    %mul3A_28 = arith.mulf %convert_element_type3A_16, %mul3A_27 : vector<128x128xf32>
    %slice3A_29 = vector.extract_strided_slice %get3A_14 {offsets = [256, 0], sizes = [128, 128], strides = [1, 1]} : vector<2048x128xf32> to vector<128x128xf32>
    %dot_general3A_30 = arith.constant dense<0.000000e+00> : vector<128x128xf32>
    %dot_general3A_31 = tpu.matmul %mul3A_28, %slice3A_29, %dot_general3A_30 {dimension_numbers = #tpu.dot_dimension_numbers<[1], [0], [0], [1], [0, 0, 1, 1], [], []>, precision = #tpu.contract_precision<fp32>, transpose_lhs_hint = false} : vector<128x128xf32>, vector<128x128xf32>, vector<128x128xf32> -> vector<128x128xf32>
    %slice3A_32 = vector.extract_strided_slice %rsqrt3A {offsets = [3, 0], sizes = [1, 128], strides = [1, 1]} : vector<16x128xf32> to vector<1x128xf32>
    %mul3A_33 = vector.broadcast %slice3A_32 : vector<1x128xf32> to vector<128x128xf32>
    %mul3A_34 = arith.mulf %convert_element_type3A_16, %mul3A_33 : vector<128x128xf32>
    %slice3A_35 = vector.extract_strided_slice %get3A_14 {offsets = [384, 0], sizes = [128, 128], strides = [1, 1]} : vector<2048x128xf32> to vector<128x128xf32>
    %dot_general3A_36 = arith.constant dense<0.000000e+00> : vector<128x128xf32>
    %dot_general3A_37 = tpu.matmul %mul3A_34, %slice3A_35, %dot_general3A_36 {dimension_numbers = #tpu.dot_dimension_numbers<[1], [0], [0], [1], [0, 0, 1, 1], [], []>, precision = #tpu.contract_precision<fp32>, transpose_lhs_hint = false} : vector<128x128xf32>, vector<128x128xf32>, vector<128x128xf32> -> vector<128x128xf32>
    %slice3A_38 = vector.extract_strided_slice %rsqrt3A {offsets = [4, 0], sizes = [1, 128], strides = [1, 1]} : vector<16x128xf32> to vector<1x128xf32>
    %mul3A_39 = vector.broadcast %slice3A_38 : vector<1x128xf32> to vector<128x128xf32>
    %mul3A_40 = arith.mulf %convert_element_type3A_16, %mul3A_39 : vector<128x128xf32>
    %slice3A_41 = vector.extract_strided_slice %get3A_14 {offsets = [512, 0], sizes = [128, 128], strides = [1, 1]} : vector<2048x128xf32> to vector<128x128xf32>
    %dot_general3A_42 = arith.constant dense<0.000000e+00> : vector<128x128xf32>
    %dot_general3A_43 = tpu.matmul %mul3A_40, %slice3A_41, %dot_general3A_42 {dimension_numbers = #tpu.dot_dimension_numbers<[1], [0], [0], [1], [0, 0, 1, 1], [], []>, precision = #tpu.contract_precision<fp32>, transpose_lhs_hint = false} : vector<128x128xf32>, vector<128x128xf32>, vector<128x128xf32> -> vector<128x128xf32>
    %slice3A_44 = vector.extract_strided_slice %rsqrt3A {offsets = [5, 0], sizes = [1, 128], strides = [1, 1]} : vector<16x128xf32> to vector<1x128xf32>
    %mul3A_45 = vector.broadcast %slice3A_44 : vector<1x128xf32> to vector<128x128xf32>
    %mul3A_46 = arith.mulf %convert_element_type3A_16, %mul3A_45 : vector<128x128xf32>
    %slice3A_47 = vector.extract_strided_slice %get3A_14 {offsets = [640, 0], sizes = [128, 128], strides = [1, 1]} : vector<2048x128xf32> to vector<128x128xf32>
    %dot_general3A_48 = arith.constant dense<0.000000e+00> : vector<128x128xf32>
    %dot_general3A_49 = tpu.matmul %mul3A_46, %slice3A_47, %dot_general3A_48 {dimension_numbers = #tpu.dot_dimension_numbers<[1], [0], [0], [1], [0, 0, 1, 1], [], []>, precision = #tpu.contract_precision<fp32>, transpose_lhs_hint = false} : vector<128x128xf32>, vector<128x128xf32>, vector<128x128xf32> -> vector<128x128xf32>
    %slice3A_50 = vector.extract_strided_slice %rsqrt3A {offsets = [6, 0], sizes = [1, 128], strides = [1, 1]} : vector<16x128xf32> to vector<1x128xf32>
    %mul3A_51 = vector.broadcast %slice3A_50 : vector<1x128xf32> to vector<128x128xf32>
    %mul3A_52 = arith.mulf %convert_element_type3A_16, %mul3A_51 : vector<128x128xf32>
    %slice3A_53 = vector.extract_strided_slice %get3A_14 {offsets = [768, 0], sizes = [128, 128], strides = [1, 1]} : vector<2048x128xf32> to vector<128x128xf32>
    %dot_general3A_54 = arith.constant dense<0.000000e+00> : vector<128x128xf32>
    %dot_general3A_55 = tpu.matmul %mul3A_52, %slice3A_53, %dot_general3A_54 {dimension_numbers = #tpu.dot_dimension_numbers<[1], [0], [0], [1], [0, 0, 1, 1], [], []>, precision = #tpu.contract_precision<fp32>, transpose_lhs_hint = false} : vector<128x128xf32>, vector<128x128xf32>, vector<128x128xf32> -> vector<128x128xf32>
    %slice3A_56 = vector.extract_strided_slice %rsqrt3A {offsets = [7, 0], sizes = [1, 128], strides = [1, 1]} : vector<16x128xf32> to vector<1x128xf32>
    %mul3A_57 = vector.broadcast %slice3A_56 : vector<1x128xf32> to vector<128x128xf32>
    %mul3A_58 = arith.mulf %convert_element_type3A_16, %mul3A_57 : vector<128x128xf32>
    %slice3A_59 = vector.extract_strided_slice %get3A_14 {offsets = [896, 0], sizes = [128, 128], strides = [1, 1]} : vector<2048x128xf32> to vector<128x128xf32>
    %dot_general3A_60 = arith.constant dense<0.000000e+00> : vector<128x128xf32>
    %dot_general3A_61 = tpu.matmul %mul3A_58, %slice3A_59, %dot_general3A_60 {dimension_numbers = #tpu.dot_dimension_numbers<[1], [0], [0], [1], [0, 0, 1, 1], [], []>, precision = #tpu.contract_precision<fp32>, transpose_lhs_hint = false} : vector<128x128xf32>, vector<128x128xf32>, vector<128x128xf32> -> vector<128x128xf32>
    %slice3A_62 = vector.extract_strided_slice %rsqrt3A {offsets = [8, 0], sizes = [1, 128], strides = [1, 1]} : vector<16x128xf32> to vector<1x128xf32>
    %mul3A_63 = vector.broadcast %slice3A_62 : vector<1x128xf32> to vector<128x128xf32>
    %mul3A_64 = arith.mulf %convert_element_type3A_16, %mul3A_63 : vector<128x128xf32>
    %slice3A_65 = vector.extract_strided_slice %get3A_14 {offsets = [1024, 0], sizes = [128, 128], strides = [1, 1]} : vector<2048x128xf32> to vector<128x128xf32>
    %dot_general3A_66 = arith.constant dense<0.000000e+00> : vector<128x128xf32>
    %dot_general3A_67 = tpu.matmul %mul3A_64, %slice3A_65, %dot_general3A_66 {dimension_numbers = #tpu.dot_dimension_numbers<[1], [0], [0], [1], [0, 0, 1, 1], [], []>, precision = #tpu.contract_precision<fp32>, transpose_lhs_hint = false} : vector<128x128xf32>, vector<128x128xf32>, vector<128x128xf32> -> vector<128x128xf32>
    %slice3A_68 = vector.extract_strided_slice %rsqrt3A {offsets = [9, 0], sizes = [1, 128], strides = [1, 1]} : vector<16x128xf32> to vector<1x128xf32>
    %mul3A_69 = vector.broadcast %slice3A_68 : vector<1x128xf32> to vector<128x128xf32>
    %mul3A_70 = arith.mulf %convert_element_type3A_16, %mul3A_69 : vector<128x128xf32>
    %slice3A_71 = vector.extract_strided_slice %get3A_14 {offsets = [1152, 0], sizes = [128, 128], strides = [1, 1]} : vector<2048x128xf32> to vector<128x128xf32>
    %dot_general3A_72 = arith.constant dense<0.000000e+00> : vector<128x128xf32>
    %dot_general3A_73 = tpu.matmul %mul3A_70, %slice3A_71, %dot_general3A_72 {dimension_numbers = #tpu.dot_dimension_numbers<[1], [0], [0], [1], [0, 0, 1, 1], [], []>, precision = #tpu.contract_precision<fp32>, transpose_lhs_hint = false} : vector<128x128xf32>, vector<128x128xf32>, vector<128x128xf32> -> vector<128x128xf32>
    %slice3A_74 = vector.extract_strided_slice %rsqrt3A {offsets = [10, 0], sizes = [1, 128], strides = [1, 1]} : vector<16x128xf32> to vector<1x128xf32>
    %mul3A_75 = vector.broadcast %slice3A_74 : vector<1x128xf32> to vector<128x128xf32>
    %mul3A_76 = arith.mulf %convert_element_type3A_16, %mul3A_75 : vector<128x128xf32>
    %slice3A_77 = vector.extract_strided_slice %get3A_14 {offsets = [1280, 0], sizes = [128, 128], strides = [1, 1]} : vector<2048x128xf32> to vector<128x128xf32>
    %dot_general3A_78 = arith.constant dense<0.000000e+00> : vector<128x128xf32>
    %dot_general3A_79 = tpu.matmul %mul3A_76, %slice3A_77, %dot_general3A_78 {dimension_numbers = #tpu.dot_dimension_numbers<[1], [0], [0], [1], [0, 0, 1, 1], [], []>, precision = #tpu.contract_precision<fp32>, transpose_lhs_hint = false} : vector<128x128xf32>, vector<128x128xf32>, vector<128x128xf32> -> vector<128x128xf32>
    %slice3A_80 = vector.extract_strided_slice %rsqrt3A {offsets = [11, 0], sizes = [1, 128], strides = [1, 1]} : vector<16x128xf32> to vector<1x128xf32>
    %mul3A_81 = vector.broadcast %slice3A_80 : vector<1x128xf32> to vector<128x128xf32>
    %mul3A_82 = arith.mulf %convert_element_type3A_16, %mul3A_81 : vector<128x128xf32>
    %slice3A_83 = vector.extract_strided_slice %get3A_14 {offsets = [1408, 0], sizes = [128, 128], strides = [1, 1]} : vector<2048x128xf32> to vector<128x128xf32>
    %dot_general3A_84 = arith.constant dense<0.000000e+00> : vector<128x128xf32>
    %dot_general3A_85 = tpu.matmul %mul3A_82, %slice3A_83, %dot_general3A_84 {dimension_numbers = #tpu.dot_dimension_numbers<[1], [0], [0], [1], [0, 0, 1, 1], [], []>, precision = #tpu.contract_precision<fp32>, transpose_lhs_hint = false} : vector<128x128xf32>, vector<128x128xf32>, vector<128x128xf32> -> vector<128x128xf32>
    %slice3A_86 = vector.extract_strided_slice %rsqrt3A {offsets = [12, 0], sizes = [1, 128], strides = [1, 1]} : vector<16x128xf32> to vector<1x128xf32>
    %mul3A_87 = vector.broadcast %slice3A_86 : vector<1x128xf32> to vector<128x128xf32>
    %mul3A_88 = arith.mulf %convert_element_type3A_16, %mul3A_87 : vector<128x128xf32>
    %slice3A_89 = vector.extract_strided_slice %get3A_14 {offsets = [1536, 0], sizes = [128, 128], strides = [1, 1]} : vector<2048x128xf32> to vector<128x128xf32>
    %dot_general3A_90 = arith.constant dense<0.000000e+00> : vector<128x128xf32>
    %dot_general3A_91 = tpu.matmul %mul3A_88, %slice3A_89, %dot_general3A_90 {dimension_numbers = #tpu.dot_dimension_numbers<[1], [0], [0], [1], [0, 0, 1, 1], [], []>, precision = #tpu.contract_precision<fp32>, transpose_lhs_hint = false} : vector<128x128xf32>, vector<128x128xf32>, vector<128x128xf32> -> vector<128x128xf32>
    %slice3A_92 = vector.extract_strided_slice %rsqrt3A {offsets = [13, 0], sizes = [1, 128], strides = [1, 1]} : vector<16x128xf32> to vector<1x128xf32>
    %mul3A_93 = vector.broadcast %slice3A_92 : vector<1x128xf32> to vector<128x128xf32>
    %mul3A_94 = arith.mulf %convert_element_type3A_16, %mul3A_93 : vector<128x128xf32>
    %slice3A_95 = vector.extract_strided_slice %get3A_14 {offsets = [1664, 0], sizes = [128, 128], strides = [1, 1]} : vector<2048x128xf32> to vector<128x128xf32>
    %dot_general3A_96 = arith.constant dense<0.000000e+00> : vector<128x128xf32>
    %dot_general3A_97 = tpu.matmul %mul3A_94, %slice3A_95, %dot_general3A_96 {dimension_numbers = #tpu.dot_dimension_numbers<[1], [0], [0], [1], [0, 0, 1, 1], [], []>, precision = #tpu.contract_precision<fp32>, transpose_lhs_hint = false} : vector<128x128xf32>, vector<128x128xf32>, vector<128x128xf32> -> vector<128x128xf32>
    %slice3A_98 = vector.extract_strided_slice %rsqrt3A {offsets = [14, 0], sizes = [1, 128], strides = [1, 1]} : vector<16x128xf32> to vector<1x128xf32>
    %mul3A_99 = vector.broadcast %slice3A_98 : vector<1x128xf32> to vector<128x128xf32>
    %mul3A_100 = arith.mulf %convert_element_type3A_16, %mul3A_99 : vector<128x128xf32>
    %slice3A_101 = vector.extract_strided_slice %get3A_14 {offsets = [1792, 0], sizes = [128, 128], strides = [1, 1]} : vector<2048x128xf32> to vector<128x128xf32>
    %dot_general3A_102 = arith.constant dense<0.000000e+00> : vector<128x128xf32>
    %dot_general3A_103 = tpu.matmul %mul3A_100, %slice3A_101, %dot_general3A_102 {dimension_numbers = #tpu.dot_dimension_numbers<[1], [0], [0], [1], [0, 0, 1, 1], [], []>, precision = #tpu.contract_precision<fp32>, transpose_lhs_hint = false} : vector<128x128xf32>, vector<128x128xf32>, vector<128x128xf32> -> vector<128x128xf32>
    %slice3A_104 = vector.extract_strided_slice %rsqrt3A {offsets = [15, 0], sizes = [1, 128], strides = [1, 1]} : vector<16x128xf32> to vector<1x128xf32>
    %mul3A_105 = vector.broadcast %slice3A_104 : vector<1x128xf32> to vector<128x128xf32>
    %mul3A_106 = arith.mulf %convert_element_type3A_16, %mul3A_105 : vector<128x128xf32>
    %slice3A_107 = vector.extract_strided_slice %get3A_14 {offsets = [1920, 0], sizes = [128, 128], strides = [1, 1]} : vector<2048x128xf32> to vector<128x128xf32>
    %dot_general3A_108 = arith.constant dense<0.000000e+00> : vector<128x128xf32>
    %dot_general3A_109 = tpu.matmul %mul3A_106, %slice3A_107, %dot_general3A_108 {dimension_numbers = #tpu.dot_dimension_numbers<[1], [0], [0], [1], [0, 0, 1, 1], [], []>, precision = #tpu.contract_precision<fp32>, transpose_lhs_hint = false} : vector<128x128xf32>, vector<128x128xf32>, vector<128x128xf32> -> vector<128x128xf32>
    %concatenate3A = tpu.concatenate %dot_general3A_19, %dot_general3A_25, %dot_general3A_31, %dot_general3A_37, %dot_general3A_43, %dot_general3A_49, %dot_general3A_55, %dot_general3A_61, %dot_general3A_67, %dot_general3A_73, %dot_general3A_79, %dot_general3A_85, %dot_general3A_91, %dot_general3A_97, %dot_general3A_103, %dot_general3A_109 in 0 : vector<128x128xf32>, vector<128x128xf32>, vector<128x128xf32>, vector<128x128xf32>, vector<128x128xf32>, vector<128x128xf32>, vector<128x128xf32>, vector<128x128xf32>, vector<128x128xf32>, vector<128x128xf32>, vector<128x128xf32>, vector<128x128xf32>, vector<128x128xf32>, vector<128x128xf32>, vector<128x128xf32>, vector<128x128xf32> -> vector<2048x128xf32>
    %swap3A = arith.constant 0 : index
    %swap3A_110 = arith.constant 0 : index
    %swap3A_111 = vector.load %arg3[%swap3A, %swap3A_110] : memref<2048x128xf32, #tpu.memory_space<vmem>>, vector<2048x128xf32>
    tpu.vector_store %arg3[%swap3A, %swap3A_110], %concatenate3A {strides = array<i32>} : memref<2048x128xf32, #tpu.memory_space<vmem>>, vector<2048x128xf32>,
    return
  }
  func.func @transform_0(%arg0: i32) -> (i32, i32) {
    %c0_i32 = arith.constant 0 : i32
    %c0_i32_0 = arith.constant 0 : i32
    return %arg0, %c0_i32 : i32, i32
  }
  func.func @transform_1(%arg0: i32) -> (i32, i32, i32) {
    %c0_i32 = arith.constant 0 : i32
    %c0_i32_0 = arith.constant 0 : i32
    %c0_i32_1 = arith.constant 0 : i32
    return %c0_i32, %arg0, %c0_i32_0 : i32, i32, i32
  }
  func.func @transform_2(%arg0: i32) -> (i32, i32) {
    %c0_i32 = arith.constant 0 : i32
    %c0_i32_0 = arith.constant 0 : i32
    return %arg0, %c0_i32 : i32, i32
  }
}

module attributes {stable_mosaic.version = 14 : i64} {
  func.func @_epi_body(%arg0: i32, %arg1: memref<2x2048x128xf32, #tpu.memory_space<vmem>>, %arg2: memref<2048x128xf32, #tpu.memory_space<vmem>>, %arg3: memref<2x16x128xf32, #tpu.memory_space<vmem>>, %arg4: memref<2048x128xf32, #tpu.memory_space<vmem>>, %arg5: memref<128x128xf32, #tpu.memory_space<vmem>>, %arg6: memref<1x128xf32, #tpu.memory_space<vmem>>, %arg7: memref<128x32xf32, #tpu.memory_space<vmem>>, %arg8: memref<1x32xf32, #tpu.memory_space<vmem>>, %arg9: memref<32x32xf32, #tpu.memory_space<vmem>>, %arg10: memref<1x32xf32, #tpu.memory_space<vmem>>, %arg11: memref<32x1xf32, #tpu.memory_space<vmem>>, %arg12: memref<1x1xf32, #tpu.memory_space<vmem>>, %arg13: memref<128x128xf32, #tpu.memory_space<vmem>>, %arg14: memref<1x128xf32, #tpu.memory_space<vmem>>, %arg15: memref<128x32xf32, #tpu.memory_space<vmem>>, %arg16: memref<1x32xf32, #tpu.memory_space<vmem>>, %arg17: memref<32x32xf32, #tpu.memory_space<vmem>>, %arg18: memref<1x32xf32, #tpu.memory_space<vmem>>, %arg19: memref<32x1xf32, #tpu.memory_space<vmem>>, %arg20: memref<1x1xf32, #tpu.memory_space<vmem>>, %arg21: memref<2048xf32, #tpu.memory_space<vmem>>, %arg22: memref<1x1xf32, #tpu.memory_space<vmem>>, %arg23: memref<1x128xf32, #tpu.memory_space<vmem>>) attributes {dimension_semantics = [#tpu.dimension_semantics<arbitrary>], iteration_bounds = array<i64: 5>, scalar_prefetch = 0 : i64, scratch_operands = 1 : i64, tpu.core_type = #tpu.core_type<tc>, window_params = [{transform_indices = @transform_0, window_bounds = array<i64: 2, 2048, 128>}, {transform_indices = @transform_1, window_bounds = array<i64: 2048, 128>}, {transform_indices = @transform_2, window_bounds = array<i64: 2, 16, 128>}, {transform_indices = @transform_3, window_bounds = array<i64: 2048, 128>}, {pipeline_mode = #tpu.pipeline_mode<synchronous>, transform_indices = @transform_4, window_bounds = array<i64: 128, 128>}, {pipeline_mode = #tpu.pipeline_mode<synchronous>, transform_indices = @transform_5, window_bounds = array<i64: 1, 128>}, {pipeline_mode = #tpu.pipeline_mode<synchronous>, transform_indices = @transform_6, window_bounds = array<i64: 128, 32>}, {pipeline_mode = #tpu.pipeline_mode<synchronous>, transform_indices = @transform_7, window_bounds = array<i64: 1, 32>}, {pipeline_mode = #tpu.pipeline_mode<synchronous>, transform_indices = @transform_8, window_bounds = array<i64: 32, 32>}, {pipeline_mode = #tpu.pipeline_mode<synchronous>, transform_indices = @transform_9, window_bounds = array<i64: 1, 32>}, {pipeline_mode = #tpu.pipeline_mode<synchronous>, transform_indices = @transform_10, window_bounds = array<i64: 32, 1>}, {pipeline_mode = #tpu.pipeline_mode<synchronous>, transform_indices = @transform_11, window_bounds = array<i64: 1, 1>}, {pipeline_mode = #tpu.pipeline_mode<synchronous>, transform_indices = @transform_12, window_bounds = array<i64: 128, 128>}, {pipeline_mode = #tpu.pipeline_mode<synchronous>, transform_indices = @transform_13, window_bounds = array<i64: 1, 128>}, {pipeline_mode = #tpu.pipeline_mode<synchronous>, transform_indices = @transform_14, window_bounds = array<i64: 128, 32>}, {pipeline_mode = #tpu.pipeline_mode<synchronous>, transform_indices = @transform_15, window_bounds = array<i64: 1, 32>}, {pipeline_mode = #tpu.pipeline_mode<synchronous>, transform_indices = @transform_16, window_bounds = array<i64: 32, 32>}, {pipeline_mode = #tpu.pipeline_mode<synchronous>, transform_indices = @transform_17, window_bounds = array<i64: 1, 32>}, {pipeline_mode = #tpu.pipeline_mode<synchronous>, transform_indices = @transform_18, window_bounds = array<i64: 32, 1>}, {pipeline_mode = #tpu.pipeline_mode<synchronous>, transform_indices = @transform_19, window_bounds = array<i64: 1, 1>}, {transform_indices = @transform_20, window_bounds = array<i64: 2048>}, {pipeline_mode = #tpu.pipeline_mode<synchronous>, transform_indices = @transform_21, window_bounds = array<i64: 1, 1>}]} {
    %get3A = arith.constant 0 : index
    %get3A_0 = arith.constant 0 : index
    %get3A_1 = arith.constant 0 : index
    %get3A_2 = vector.load %arg1[%get3A, %get3A_0, %get3A_1] : memref<2x2048x128xf32, #tpu.memory_space<vmem>>, vector<1x2048x128xf32>
    %get3A_3 = vector.shape_cast %get3A_2 : vector<1x2048x128xf32> to vector<2048x128xf32>
    %get3A_4 = arith.constant 1 : index
    %get3A_5 = arith.constant 0 : index
    %get3A_6 = arith.constant 0 : index
    %get3A_7 = vector.load %arg1[%get3A_4, %get3A_5, %get3A_6] : memref<2x2048x128xf32, #tpu.memory_space<vmem>>, vector<1x2048x128xf32>
    %get3A_8 = vector.shape_cast %get3A_7 : vector<1x2048x128xf32> to vector<2048x128xf32>
    %add3A = arith.addf %get3A_3, %get3A_8 : vector<2048x128xf32>
    %get3A_9 = arith.constant 0 : index
    %get3A_10 = arith.constant 0 : index
    %get3A_11 = arith.constant 0 : index
    %get3A_12 = vector.load %arg3[%get3A_9, %get3A_10, %get3A_11] : memref<2x16x128xf32, #tpu.memory_space<vmem>>, vector<1x16x128xf32>
    %get3A_13 = vector.shape_cast %get3A_12 : vector<1x16x128xf32> to vector<16x128xf32>
    %get3A_14 = arith.constant 1 : index
    %get3A_15 = arith.constant 0 : index
    %get3A_16 = arith.constant 0 : index
    %get3A_17 = vector.load %arg3[%get3A_14, %get3A_15, %get3A_16] : memref<2x16x128xf32, #tpu.memory_space<vmem>>, vector<1x16x128xf32>
    %get3A_18 = vector.shape_cast %get3A_17 : vector<1x16x128xf32> to vector<16x128xf32>
    %add3A_19 = arith.addf %get3A_13, %get3A_18 : vector<16x128xf32>
    %add3A_20 = arith.constant 1.000000e+00 : f32
    %add3A_21 = vector.broadcast %add3A_20 : f32 to vector<16x128xf32>
    %add3A_22 = arith.addf %add3A_19, %add3A_21 : vector<16x128xf32>
    %rsqrt3A = math.rsqrt %add3A_22 : vector<16x128xf32>
    %get3A_23 = arith.constant 0 : index
    %get3A_24 = arith.constant 0 : index
    %get3A_25 = vector.load %arg2[%get3A_23, %get3A_24] : memref<2048x128xf32, #tpu.memory_space<vmem>>, vector<2048x128xf32>
    %add3A_26 = arith.addf %add3A, %get3A_25 : vector<2048x128xf32>
    %iota3A = tpu.iota {dimensions = array<i32: 0>} : vector<128x128xi32>
    %iota3A_27 = tpu.iota {dimensions = array<i32: 1>} : vector<128x128xi32>
    %eq3A = arith.cmpi eq, %iota3A, %iota3A_27 : vector<128x128xi32>
    %convert_element_type3A = arith.extui %eq3A : vector<128x128xi1> to vector<128x128xi32>
    %convert_element_type3A_28 = arith.sitofp %convert_element_type3A : vector<128x128xi32> to vector<128x128xf32>
    %slice3A = vector.extract_strided_slice %rsqrt3A {offsets = [0, 0], sizes = [1, 128], strides = [1, 1]} : vector<16x128xf32> to vector<1x128xf32>
    %mul3A = vector.broadcast %slice3A : vector<1x128xf32> to vector<128x128xf32>
    %mul3A_29 = arith.mulf %convert_element_type3A_28, %mul3A : vector<128x128xf32>
    %slice3A_30 = vector.extract_strided_slice %add3A_26 {offsets = [0, 0], sizes = [128, 128], strides = [1, 1]} : vector<2048x128xf32> to vector<128x128xf32>
    %dot_general3A = arith.constant dense<0.000000e+00> : vector<128x128xf32>
    %dot_general3A_31 = tpu.matmul %mul3A_29, %slice3A_30, %dot_general3A {dimension_numbers = #tpu.dot_dimension_numbers<[1], [0], [0], [1], [0, 0, 1, 1], [], []>, precision = #tpu.contract_precision<fp32>, transpose_lhs_hint = false} : vector<128x128xf32>, vector<128x128xf32>, vector<128x128xf32> -> vector<128x128xf32>
    %slice3A_32 = vector.extract_strided_slice %rsqrt3A {offsets = [1, 0], sizes = [1, 128], strides = [1, 1]} : vector<16x128xf32> to vector<1x128xf32>
    %mul3A_33 = vector.broadcast %slice3A_32 : vector<1x128xf32> to vector<128x128xf32>
    %mul3A_34 = arith.mulf %convert_element_type3A_28, %mul3A_33 : vector<128x128xf32>
    %slice3A_35 = vector.extract_strided_slice %add3A_26 {offsets = [128, 0], sizes = [128, 128], strides = [1, 1]} : vector<2048x128xf32> to vector<128x128xf32>
    %dot_general3A_36 = arith.constant dense<0.000000e+00> : vector<128x128xf32>
    %dot_general3A_37 = tpu.matmul %mul3A_34, %slice3A_35, %dot_general3A_36 {dimension_numbers = #tpu.dot_dimension_numbers<[1], [0], [0], [1], [0, 0, 1, 1], [], []>, precision = #tpu.contract_precision<fp32>, transpose_lhs_hint = false} : vector<128x128xf32>, vector<128x128xf32>, vector<128x128xf32> -> vector<128x128xf32>
    %slice3A_38 = vector.extract_strided_slice %rsqrt3A {offsets = [2, 0], sizes = [1, 128], strides = [1, 1]} : vector<16x128xf32> to vector<1x128xf32>
    %mul3A_39 = vector.broadcast %slice3A_38 : vector<1x128xf32> to vector<128x128xf32>
    %mul3A_40 = arith.mulf %convert_element_type3A_28, %mul3A_39 : vector<128x128xf32>
    %slice3A_41 = vector.extract_strided_slice %add3A_26 {offsets = [256, 0], sizes = [128, 128], strides = [1, 1]} : vector<2048x128xf32> to vector<128x128xf32>
    %dot_general3A_42 = arith.constant dense<0.000000e+00> : vector<128x128xf32>
    %dot_general3A_43 = tpu.matmul %mul3A_40, %slice3A_41, %dot_general3A_42 {dimension_numbers = #tpu.dot_dimension_numbers<[1], [0], [0], [1], [0, 0, 1, 1], [], []>, precision = #tpu.contract_precision<fp32>, transpose_lhs_hint = false} : vector<128x128xf32>, vector<128x128xf32>, vector<128x128xf32> -> vector<128x128xf32>
    %slice3A_44 = vector.extract_strided_slice %rsqrt3A {offsets = [3, 0], sizes = [1, 128], strides = [1, 1]} : vector<16x128xf32> to vector<1x128xf32>
    %mul3A_45 = vector.broadcast %slice3A_44 : vector<1x128xf32> to vector<128x128xf32>
    %mul3A_46 = arith.mulf %convert_element_type3A_28, %mul3A_45 : vector<128x128xf32>
    %slice3A_47 = vector.extract_strided_slice %add3A_26 {offsets = [384, 0], sizes = [128, 128], strides = [1, 1]} : vector<2048x128xf32> to vector<128x128xf32>
    %dot_general3A_48 = arith.constant dense<0.000000e+00> : vector<128x128xf32>
    %dot_general3A_49 = tpu.matmul %mul3A_46, %slice3A_47, %dot_general3A_48 {dimension_numbers = #tpu.dot_dimension_numbers<[1], [0], [0], [1], [0, 0, 1, 1], [], []>, precision = #tpu.contract_precision<fp32>, transpose_lhs_hint = false} : vector<128x128xf32>, vector<128x128xf32>, vector<128x128xf32> -> vector<128x128xf32>
    %slice3A_50 = vector.extract_strided_slice %rsqrt3A {offsets = [4, 0], sizes = [1, 128], strides = [1, 1]} : vector<16x128xf32> to vector<1x128xf32>
    %mul3A_51 = vector.broadcast %slice3A_50 : vector<1x128xf32> to vector<128x128xf32>
    %mul3A_52 = arith.mulf %convert_element_type3A_28, %mul3A_51 : vector<128x128xf32>
    %slice3A_53 = vector.extract_strided_slice %add3A_26 {offsets = [512, 0], sizes = [128, 128], strides = [1, 1]} : vector<2048x128xf32> to vector<128x128xf32>
    %dot_general3A_54 = arith.constant dense<0.000000e+00> : vector<128x128xf32>
    %dot_general3A_55 = tpu.matmul %mul3A_52, %slice3A_53, %dot_general3A_54 {dimension_numbers = #tpu.dot_dimension_numbers<[1], [0], [0], [1], [0, 0, 1, 1], [], []>, precision = #tpu.contract_precision<fp32>, transpose_lhs_hint = false} : vector<128x128xf32>, vector<128x128xf32>, vector<128x128xf32> -> vector<128x128xf32>
    %slice3A_56 = vector.extract_strided_slice %rsqrt3A {offsets = [5, 0], sizes = [1, 128], strides = [1, 1]} : vector<16x128xf32> to vector<1x128xf32>
    %mul3A_57 = vector.broadcast %slice3A_56 : vector<1x128xf32> to vector<128x128xf32>
    %mul3A_58 = arith.mulf %convert_element_type3A_28, %mul3A_57 : vector<128x128xf32>
    %slice3A_59 = vector.extract_strided_slice %add3A_26 {offsets = [640, 0], sizes = [128, 128], strides = [1, 1]} : vector<2048x128xf32> to vector<128x128xf32>
    %dot_general3A_60 = arith.constant dense<0.000000e+00> : vector<128x128xf32>
    %dot_general3A_61 = tpu.matmul %mul3A_58, %slice3A_59, %dot_general3A_60 {dimension_numbers = #tpu.dot_dimension_numbers<[1], [0], [0], [1], [0, 0, 1, 1], [], []>, precision = #tpu.contract_precision<fp32>, transpose_lhs_hint = false} : vector<128x128xf32>, vector<128x128xf32>, vector<128x128xf32> -> vector<128x128xf32>
    %slice3A_62 = vector.extract_strided_slice %rsqrt3A {offsets = [6, 0], sizes = [1, 128], strides = [1, 1]} : vector<16x128xf32> to vector<1x128xf32>
    %mul3A_63 = vector.broadcast %slice3A_62 : vector<1x128xf32> to vector<128x128xf32>
    %mul3A_64 = arith.mulf %convert_element_type3A_28, %mul3A_63 : vector<128x128xf32>
    %slice3A_65 = vector.extract_strided_slice %add3A_26 {offsets = [768, 0], sizes = [128, 128], strides = [1, 1]} : vector<2048x128xf32> to vector<128x128xf32>
    %dot_general3A_66 = arith.constant dense<0.000000e+00> : vector<128x128xf32>
    %dot_general3A_67 = tpu.matmul %mul3A_64, %slice3A_65, %dot_general3A_66 {dimension_numbers = #tpu.dot_dimension_numbers<[1], [0], [0], [1], [0, 0, 1, 1], [], []>, precision = #tpu.contract_precision<fp32>, transpose_lhs_hint = false} : vector<128x128xf32>, vector<128x128xf32>, vector<128x128xf32> -> vector<128x128xf32>
    %slice3A_68 = vector.extract_strided_slice %rsqrt3A {offsets = [7, 0], sizes = [1, 128], strides = [1, 1]} : vector<16x128xf32> to vector<1x128xf32>
    %mul3A_69 = vector.broadcast %slice3A_68 : vector<1x128xf32> to vector<128x128xf32>
    %mul3A_70 = arith.mulf %convert_element_type3A_28, %mul3A_69 : vector<128x128xf32>
    %slice3A_71 = vector.extract_strided_slice %add3A_26 {offsets = [896, 0], sizes = [128, 128], strides = [1, 1]} : vector<2048x128xf32> to vector<128x128xf32>
    %dot_general3A_72 = arith.constant dense<0.000000e+00> : vector<128x128xf32>
    %dot_general3A_73 = tpu.matmul %mul3A_70, %slice3A_71, %dot_general3A_72 {dimension_numbers = #tpu.dot_dimension_numbers<[1], [0], [0], [1], [0, 0, 1, 1], [], []>, precision = #tpu.contract_precision<fp32>, transpose_lhs_hint = false} : vector<128x128xf32>, vector<128x128xf32>, vector<128x128xf32> -> vector<128x128xf32>
    %slice3A_74 = vector.extract_strided_slice %rsqrt3A {offsets = [8, 0], sizes = [1, 128], strides = [1, 1]} : vector<16x128xf32> to vector<1x128xf32>
    %mul3A_75 = vector.broadcast %slice3A_74 : vector<1x128xf32> to vector<128x128xf32>
    %mul3A_76 = arith.mulf %convert_element_type3A_28, %mul3A_75 : vector<128x128xf32>
    %slice3A_77 = vector.extract_strided_slice %add3A_26 {offsets = [1024, 0], sizes = [128, 128], strides = [1, 1]} : vector<2048x128xf32> to vector<128x128xf32>
    %dot_general3A_78 = arith.constant dense<0.000000e+00> : vector<128x128xf32>
    %dot_general3A_79 = tpu.matmul %mul3A_76, %slice3A_77, %dot_general3A_78 {dimension_numbers = #tpu.dot_dimension_numbers<[1], [0], [0], [1], [0, 0, 1, 1], [], []>, precision = #tpu.contract_precision<fp32>, transpose_lhs_hint = false} : vector<128x128xf32>, vector<128x128xf32>, vector<128x128xf32> -> vector<128x128xf32>
    %slice3A_80 = vector.extract_strided_slice %rsqrt3A {offsets = [9, 0], sizes = [1, 128], strides = [1, 1]} : vector<16x128xf32> to vector<1x128xf32>
    %mul3A_81 = vector.broadcast %slice3A_80 : vector<1x128xf32> to vector<128x128xf32>
    %mul3A_82 = arith.mulf %convert_element_type3A_28, %mul3A_81 : vector<128x128xf32>
    %slice3A_83 = vector.extract_strided_slice %add3A_26 {offsets = [1152, 0], sizes = [128, 128], strides = [1, 1]} : vector<2048x128xf32> to vector<128x128xf32>
    %dot_general3A_84 = arith.constant dense<0.000000e+00> : vector<128x128xf32>
    %dot_general3A_85 = tpu.matmul %mul3A_82, %slice3A_83, %dot_general3A_84 {dimension_numbers = #tpu.dot_dimension_numbers<[1], [0], [0], [1], [0, 0, 1, 1], [], []>, precision = #tpu.contract_precision<fp32>, transpose_lhs_hint = false} : vector<128x128xf32>, vector<128x128xf32>, vector<128x128xf32> -> vector<128x128xf32>
    %slice3A_86 = vector.extract_strided_slice %rsqrt3A {offsets = [10, 0], sizes = [1, 128], strides = [1, 1]} : vector<16x128xf32> to vector<1x128xf32>
    %mul3A_87 = vector.broadcast %slice3A_86 : vector<1x128xf32> to vector<128x128xf32>
    %mul3A_88 = arith.mulf %convert_element_type3A_28, %mul3A_87 : vector<128x128xf32>
    %slice3A_89 = vector.extract_strided_slice %add3A_26 {offsets = [1280, 0], sizes = [128, 128], strides = [1, 1]} : vector<2048x128xf32> to vector<128x128xf32>
    %dot_general3A_90 = arith.constant dense<0.000000e+00> : vector<128x128xf32>
    %dot_general3A_91 = tpu.matmul %mul3A_88, %slice3A_89, %dot_general3A_90 {dimension_numbers = #tpu.dot_dimension_numbers<[1], [0], [0], [1], [0, 0, 1, 1], [], []>, precision = #tpu.contract_precision<fp32>, transpose_lhs_hint = false} : vector<128x128xf32>, vector<128x128xf32>, vector<128x128xf32> -> vector<128x128xf32>
    %slice3A_92 = vector.extract_strided_slice %rsqrt3A {offsets = [11, 0], sizes = [1, 128], strides = [1, 1]} : vector<16x128xf32> to vector<1x128xf32>
    %mul3A_93 = vector.broadcast %slice3A_92 : vector<1x128xf32> to vector<128x128xf32>
    %mul3A_94 = arith.mulf %convert_element_type3A_28, %mul3A_93 : vector<128x128xf32>
    %slice3A_95 = vector.extract_strided_slice %add3A_26 {offsets = [1408, 0], sizes = [128, 128], strides = [1, 1]} : vector<2048x128xf32> to vector<128x128xf32>
    %dot_general3A_96 = arith.constant dense<0.000000e+00> : vector<128x128xf32>
    %dot_general3A_97 = tpu.matmul %mul3A_94, %slice3A_95, %dot_general3A_96 {dimension_numbers = #tpu.dot_dimension_numbers<[1], [0], [0], [1], [0, 0, 1, 1], [], []>, precision = #tpu.contract_precision<fp32>, transpose_lhs_hint = false} : vector<128x128xf32>, vector<128x128xf32>, vector<128x128xf32> -> vector<128x128xf32>
    %slice3A_98 = vector.extract_strided_slice %rsqrt3A {offsets = [12, 0], sizes = [1, 128], strides = [1, 1]} : vector<16x128xf32> to vector<1x128xf32>
    %mul3A_99 = vector.broadcast %slice3A_98 : vector<1x128xf32> to vector<128x128xf32>
    %mul3A_100 = arith.mulf %convert_element_type3A_28, %mul3A_99 : vector<128x128xf32>
    %slice3A_101 = vector.extract_strided_slice %add3A_26 {offsets = [1536, 0], sizes = [128, 128], strides = [1, 1]} : vector<2048x128xf32> to vector<128x128xf32>
    %dot_general3A_102 = arith.constant dense<0.000000e+00> : vector<128x128xf32>
    %dot_general3A_103 = tpu.matmul %mul3A_100, %slice3A_101, %dot_general3A_102 {dimension_numbers = #tpu.dot_dimension_numbers<[1], [0], [0], [1], [0, 0, 1, 1], [], []>, precision = #tpu.contract_precision<fp32>, transpose_lhs_hint = false} : vector<128x128xf32>, vector<128x128xf32>, vector<128x128xf32> -> vector<128x128xf32>
    %slice3A_104 = vector.extract_strided_slice %rsqrt3A {offsets = [13, 0], sizes = [1, 128], strides = [1, 1]} : vector<16x128xf32> to vector<1x128xf32>
    %mul3A_105 = vector.broadcast %slice3A_104 : vector<1x128xf32> to vector<128x128xf32>
    %mul3A_106 = arith.mulf %convert_element_type3A_28, %mul3A_105 : vector<128x128xf32>
    %slice3A_107 = vector.extract_strided_slice %add3A_26 {offsets = [1664, 0], sizes = [128, 128], strides = [1, 1]} : vector<2048x128xf32> to vector<128x128xf32>
    %dot_general3A_108 = arith.constant dense<0.000000e+00> : vector<128x128xf32>
    %dot_general3A_109 = tpu.matmul %mul3A_106, %slice3A_107, %dot_general3A_108 {dimension_numbers = #tpu.dot_dimension_numbers<[1], [0], [0], [1], [0, 0, 1, 1], [], []>, precision = #tpu.contract_precision<fp32>, transpose_lhs_hint = false} : vector<128x128xf32>, vector<128x128xf32>, vector<128x128xf32> -> vector<128x128xf32>
    %slice3A_110 = vector.extract_strided_slice %rsqrt3A {offsets = [14, 0], sizes = [1, 128], strides = [1, 1]} : vector<16x128xf32> to vector<1x128xf32>
    %mul3A_111 = vector.broadcast %slice3A_110 : vector<1x128xf32> to vector<128x128xf32>
    %mul3A_112 = arith.mulf %convert_element_type3A_28, %mul3A_111 : vector<128x128xf32>
    %slice3A_113 = vector.extract_strided_slice %add3A_26 {offsets = [1792, 0], sizes = [128, 128], strides = [1, 1]} : vector<2048x128xf32> to vector<128x128xf32>
    %dot_general3A_114 = arith.constant dense<0.000000e+00> : vector<128x128xf32>
    %dot_general3A_115 = tpu.matmul %mul3A_112, %slice3A_113, %dot_general3A_114 {dimension_numbers = #tpu.dot_dimension_numbers<[1], [0], [0], [1], [0, 0, 1, 1], [], []>, precision = #tpu.contract_precision<fp32>, transpose_lhs_hint = false} : vector<128x128xf32>, vector<128x128xf32>, vector<128x128xf32> -> vector<128x128xf32>
    %slice3A_116 = vector.extract_strided_slice %rsqrt3A {offsets = [15, 0], sizes = [1, 128], strides = [1, 1]} : vector<16x128xf32> to vector<1x128xf32>
    %mul3A_117 = vector.broadcast %slice3A_116 : vector<1x128xf32> to vector<128x128xf32>
    %mul3A_118 = arith.mulf %convert_element_type3A_28, %mul3A_117 : vector<128x128xf32>
    %slice3A_119 = vector.extract_strided_slice %add3A_26 {offsets = [1920, 0], sizes = [128, 128], strides = [1, 1]} : vector<2048x128xf32> to vector<128x128xf32>
    %dot_general3A_120 = arith.constant dense<0.000000e+00> : vector<128x128xf32>
    %dot_general3A_121 = tpu.matmul %mul3A_118, %slice3A_119, %dot_general3A_120 {dimension_numbers = #tpu.dot_dimension_numbers<[1], [0], [0], [1], [0, 0, 1, 1], [], []>, precision = #tpu.contract_precision<fp32>, transpose_lhs_hint = false} : vector<128x128xf32>, vector<128x128xf32>, vector<128x128xf32> -> vector<128x128xf32>
    %concatenate3A = tpu.concatenate %dot_general3A_31, %dot_general3A_37, %dot_general3A_43, %dot_general3A_49, %dot_general3A_55, %dot_general3A_61, %dot_general3A_67, %dot_general3A_73, %dot_general3A_79, %dot_general3A_85, %dot_general3A_91, %dot_general3A_97, %dot_general3A_103, %dot_general3A_109, %dot_general3A_115, %dot_general3A_121 in 0 : vector<128x128xf32>, vector<128x128xf32>, vector<128x128xf32>, vector<128x128xf32>, vector<128x128xf32>, vector<128x128xf32>, vector<128x128xf32>, vector<128x128xf32>, vector<128x128xf32>, vector<128x128xf32>, vector<128x128xf32>, vector<128x128xf32>, vector<128x128xf32>, vector<128x128xf32>, vector<128x128xf32>, vector<128x128xf32> -> vector<2048x128xf32>
    %get3A_122 = arith.constant 0 : index
    %get3A_123 = arith.constant 0 : index
    %get3A_124 = vector.load %arg5[%get3A_122, %get3A_123] : memref<128x128xf32, #tpu.memory_space<vmem>>, vector<128x128xf32>
    %dot_general3A_125 = arith.constant dense<0.000000e+00> : vector<2048x128xf32>
    %dot_general3A_126 = tpu.matmul %concatenate3A, %get3A_124, %dot_general3A_125 {dimension_numbers = #tpu.dot_dimension_numbers<[1], [0], [0], [1], [0, 0, 1, 1], [], []>, precision = #tpu.contract_precision<fp32>, transpose_lhs_hint = false} : vector<2048x128xf32>, vector<128x128xf32>, vector<2048x128xf32> -> vector<2048x128xf32>
    %get3A_127 = arith.constant 0 : index
    %get3A_128 = arith.constant 0 : index
    %get3A_129 = vector.load %arg6[%get3A_127, %get3A_128] : memref<1x128xf32, #tpu.memory_space<vmem>>, vector<1x128xf32>
    %add3A_130 = vector.broadcast %get3A_129 : vector<1x128xf32> to vector<2048x128xf32>
    %add3A_131 = arith.addf %dot_general3A_126, %add3A_130 : vector<2048x128xf32>
    %max3A = arith.constant 0.000000e+00 : f32
    %max3A_132 = vector.broadcast %max3A : f32 to vector<2048x128xf32>
    %max3A_133 = arith.maximumf %add3A_131, %max3A_132 : vector<2048x128xf32>
    %get3A_134 = arith.constant 0 : index
    %get3A_135 = arith.constant 0 : index
    %get3A_136 = vector.load %arg4[%get3A_134, %get3A_135] : memref<2048x128xf32, #tpu.memory_space<vmem>>, vector<2048x128xf32>
    %add3A_137 = arith.addf %max3A_133, %get3A_136 : vector<2048x128xf32>
    %get3A_138 = arith.constant 0 : index
    %get3A_139 = arith.constant 0 : index
    %get3A_140 = vector.load %arg7[%get3A_138, %get3A_139] : memref<128x32xf32, #tpu.memory_space<vmem>>, vector<128x32xf32>
    %dot_general3A_141 = arith.constant dense<0.000000e+00> : vector<2048x32xf32>
    %dot_general3A_142 = tpu.matmul %add3A_137, %get3A_140, %dot_general3A_141 {dimension_numbers = #tpu.dot_dimension_numbers<[1], [0], [0], [1], [0, 0, 1, 1], [], []>, precision = #tpu.contract_precision<fp32>, transpose_lhs_hint = false} : vector<2048x128xf32>, vector<128x32xf32>, vector<2048x32xf32> -> vector<2048x32xf32>
    %get3A_143 = arith.constant 0 : index
    %get3A_144 = arith.constant 0 : index
    %get3A_145 = vector.load %arg8[%get3A_143, %get3A_144] : memref<1x32xf32, #tpu.memory_space<vmem>>, vector<1x32xf32>
    %add3A_146 = vector.broadcast %get3A_145 : vector<1x32xf32> to vector<2048x32xf32>
    %add3A_147 = arith.addf %dot_general3A_142, %add3A_146 : vector<2048x32xf32>
    %max3A_148 = arith.constant 0.000000e+00 : f32
    %max3A_149 = vector.broadcast %max3A_148 : f32 to vector<2048x32xf32>
    %max3A_150 = arith.maximumf %add3A_147, %max3A_149 : vector<2048x32xf32>
    %get3A_151 = arith.constant 0 : index
    %get3A_152 = arith.constant 0 : index
    %get3A_153 = vector.load %arg9[%get3A_151, %get3A_152] : memref<32x32xf32, #tpu.memory_space<vmem>>, vector<32x32xf32>
    %dot_general3A_154 = arith.constant dense<0.000000e+00> : vector<2048x32xf32>
    %dot_general3A_155 = tpu.matmul %max3A_150, %get3A_153, %dot_general3A_154 {dimension_numbers = #tpu.dot_dimension_numbers<[1], [0], [0], [1], [0, 0, 1, 1], [], []>, precision = #tpu.contract_precision<fp32>, transpose_lhs_hint = false} : vector<2048x32xf32>, vector<32x32xf32>, vector<2048x32xf32> -> vector<2048x32xf32>
    %get3A_156 = arith.constant 0 : index
    %get3A_157 = arith.constant 0 : index
    %get3A_158 = vector.load %arg10[%get3A_156, %get3A_157] : memref<1x32xf32, #tpu.memory_space<vmem>>, vector<1x32xf32>
    %add3A_159 = vector.broadcast %get3A_158 : vector<1x32xf32> to vector<2048x32xf32>
    %add3A_160 = arith.addf %dot_general3A_155, %add3A_159 : vector<2048x32xf32>
    %max3A_161 = arith.constant 0.000000e+00 : f32
    %max3A_162 = vector.broadcast %max3A_161 : f32 to vector<2048x32xf32>
    %max3A_163 = arith.maximumf %add3A_160, %max3A_162 : vector<2048x32xf32>
    %get3A_164 = arith.constant 0 : index
    %get3A_165 = arith.constant 0 : index
    %get3A_166 = vector.load %arg11[%get3A_164, %get3A_165] : memref<32x1xf32, #tpu.memory_space<vmem>>, vector<32x1xf32>
    %transpose3A = tpu.transpose %get3A_166, [1, 0] : vector<32x1xf32> -> vector<1x32xf32>
    %slice3A_167 = vector.extract_strided_slice %max3A_163 {offsets = [0, 0], sizes = [128, 32], strides = [1, 1]} : vector<2048x32xf32> to vector<128x32xf32>
    %transpose3A_168 = tpu.transpose %slice3A_167, [1, 0] : vector<128x32xf32> -> vector<32x128xf32>
    %dot_general3A_169 = arith.constant dense<0.000000e+00> : vector<1x128xf32>
    %dot_general3A_170 = tpu.matmul %transpose3A, %transpose3A_168, %dot_general3A_169 {dimension_numbers = #tpu.dot_dimension_numbers<[1], [0], [0], [1], [0, 0, 1, 1], [], []>, precision = #tpu.contract_precision<fp32>, transpose_lhs_hint = false} : vector<1x32xf32>, vector<32x128xf32>, vector<1x128xf32> -> vector<1x128xf32>
    %slice3A_171 = vector.extract_strided_slice %max3A_163 {offsets = [128, 0], sizes = [128, 32], strides = [1, 1]} : vector<2048x32xf32> to vector<128x32xf32>
    %transpose3A_172 = tpu.transpose %slice3A_171, [1, 0] : vector<128x32xf32> -> vector<32x128xf32>
    %dot_general3A_173 = arith.constant dense<0.000000e+00> : vector<1x128xf32>
    %dot_general3A_174 = tpu.matmul %transpose3A, %transpose3A_172, %dot_general3A_173 {dimension_numbers = #tpu.dot_dimension_numbers<[1], [0], [0], [1], [0, 0, 1, 1], [], []>, precision = #tpu.contract_precision<fp32>, transpose_lhs_hint = false} : vector<1x32xf32>, vector<32x128xf32>, vector<1x128xf32> -> vector<1x128xf32>
    %slice3A_175 = vector.extract_strided_slice %max3A_163 {offsets = [256, 0], sizes = [128, 32], strides = [1, 1]} : vector<2048x32xf32> to vector<128x32xf32>
    %transpose3A_176 = tpu.transpose %slice3A_175, [1, 0] : vector<128x32xf32> -> vector<32x128xf32>
    %dot_general3A_177 = arith.constant dense<0.000000e+00> : vector<1x128xf32>
    %dot_general3A_178 = tpu.matmul %transpose3A, %transpose3A_176, %dot_general3A_177 {dimension_numbers = #tpu.dot_dimension_numbers<[1], [0], [0], [1], [0, 0, 1, 1], [], []>, precision = #tpu.contract_precision<fp32>, transpose_lhs_hint = false} : vector<1x32xf32>, vector<32x128xf32>, vector<1x128xf32> -> vector<1x128xf32>
    %slice3A_179 = vector.extract_strided_slice %max3A_163 {offsets = [384, 0], sizes = [128, 32], strides = [1, 1]} : vector<2048x32xf32> to vector<128x32xf32>
    %transpose3A_180 = tpu.transpose %slice3A_179, [1, 0] : vector<128x32xf32> -> vector<32x128xf32>
    %dot_general3A_181 = arith.constant dense<0.000000e+00> : vector<1x128xf32>
    %dot_general3A_182 = tpu.matmul %transpose3A, %transpose3A_180, %dot_general3A_181 {dimension_numbers = #tpu.dot_dimension_numbers<[1], [0], [0], [1], [0, 0, 1, 1], [], []>, precision = #tpu.contract_precision<fp32>, transpose_lhs_hint = false} : vector<1x32xf32>, vector<32x128xf32>, vector<1x128xf32> -> vector<1x128xf32>
    %slice3A_183 = vector.extract_strided_slice %max3A_163 {offsets = [512, 0], sizes = [128, 32], strides = [1, 1]} : vector<2048x32xf32> to vector<128x32xf32>
    %transpose3A_184 = tpu.transpose %slice3A_183, [1, 0] : vector<128x32xf32> -> vector<32x128xf32>
    %dot_general3A_185 = arith.constant dense<0.000000e+00> : vector<1x128xf32>
    %dot_general3A_186 = tpu.matmul %transpose3A, %transpose3A_184, %dot_general3A_185 {dimension_numbers = #tpu.dot_dimension_numbers<[1], [0], [0], [1], [0, 0, 1, 1], [], []>, precision = #tpu.contract_precision<fp32>, transpose_lhs_hint = false} : vector<1x32xf32>, vector<32x128xf32>, vector<1x128xf32> -> vector<1x128xf32>
    %slice3A_187 = vector.extract_strided_slice %max3A_163 {offsets = [640, 0], sizes = [128, 32], strides = [1, 1]} : vector<2048x32xf32> to vector<128x32xf32>
    %transpose3A_188 = tpu.transpose %slice3A_187, [1, 0] : vector<128x32xf32> -> vector<32x128xf32>
    %dot_general3A_189 = arith.constant dense<0.000000e+00> : vector<1x128xf32>
    %dot_general3A_190 = tpu.matmul %transpose3A, %transpose3A_188, %dot_general3A_189 {dimension_numbers = #tpu.dot_dimension_numbers<[1], [0], [0], [1], [0, 0, 1, 1], [], []>, precision = #tpu.contract_precision<fp32>, transpose_lhs_hint = false} : vector<1x32xf32>, vector<32x128xf32>, vector<1x128xf32> -> vector<1x128xf32>
    %slice3A_191 = vector.extract_strided_slice %max3A_163 {offsets = [768, 0], sizes = [128, 32], strides = [1, 1]} : vector<2048x32xf32> to vector<128x32xf32>
    %transpose3A_192 = tpu.transpose %slice3A_191, [1, 0] : vector<128x32xf32> -> vector<32x128xf32>
    %dot_general3A_193 = arith.constant dense<0.000000e+00> : vector<1x128xf32>
    %dot_general3A_194 = tpu.matmul %transpose3A, %transpose3A_192, %dot_general3A_193 {dimension_numbers = #tpu.dot_dimension_numbers<[1], [0], [0], [1], [0, 0, 1, 1], [], []>, precision = #tpu.contract_precision<fp32>, transpose_lhs_hint = false} : vector<1x32xf32>, vector<32x128xf32>, vector<1x128xf32> -> vector<1x128xf32>
    %slice3A_195 = vector.extract_strided_slice %max3A_163 {offsets = [896, 0], sizes = [128, 32], strides = [1, 1]} : vector<2048x32xf32> to vector<128x32xf32>
    %transpose3A_196 = tpu.transpose %slice3A_195, [1, 0] : vector<128x32xf32> -> vector<32x128xf32>
    %dot_general3A_197 = arith.constant dense<0.000000e+00> : vector<1x128xf32>
    %dot_general3A_198 = tpu.matmul %transpose3A, %transpose3A_196, %dot_general3A_197 {dimension_numbers = #tpu.dot_dimension_numbers<[1], [0], [0], [1], [0, 0, 1, 1], [], []>, precision = #tpu.contract_precision<fp32>, transpose_lhs_hint = false} : vector<1x32xf32>, vector<32x128xf32>, vector<1x128xf32> -> vector<1x128xf32>
    %slice3A_199 = vector.extract_strided_slice %max3A_163 {offsets = [1024, 0], sizes = [128, 32], strides = [1, 1]} : vector<2048x32xf32> to vector<128x32xf32>
    %transpose3A_200 = tpu.transpose %slice3A_199, [1, 0] : vector<128x32xf32> -> vector<32x128xf32>
    %dot_general3A_201 = arith.constant dense<0.000000e+00> : vector<1x128xf32>
    %dot_general3A_202 = tpu.matmul %transpose3A, %transpose3A_200, %dot_general3A_201 {dimension_numbers = #tpu.dot_dimension_numbers<[1], [0], [0], [1], [0, 0, 1, 1], [], []>, precision = #tpu.contract_precision<fp32>, transpose_lhs_hint = false} : vector<1x32xf32>, vector<32x128xf32>, vector<1x128xf32> -> vector<1x128xf32>
    %slice3A_203 = vector.extract_strided_slice %max3A_163 {offsets = [1152, 0], sizes = [128, 32], strides = [1, 1]} : vector<2048x32xf32> to vector<128x32xf32>
    %transpose3A_204 = tpu.transpose %slice3A_203, [1, 0] : vector<128x32xf32> -> vector<32x128xf32>
    %dot_general3A_205 = arith.constant dense<0.000000e+00> : vector<1x128xf32>
    %dot_general3A_206 = tpu.matmul %transpose3A, %transpose3A_204, %dot_general3A_205 {dimension_numbers = #tpu.dot_dimension_numbers<[1], [0], [0], [1], [0, 0, 1, 1], [], []>, precision = #tpu.contract_precision<fp32>, transpose_lhs_hint = false} : vector<1x32xf32>, vector<32x128xf32>, vector<1x128xf32> -> vector<1x128xf32>
    %slice3A_207 = vector.extract_strided_slice %max3A_163 {offsets = [1280, 0], sizes = [128, 32], strides = [1, 1]} : vector<2048x32xf32> to vector<128x32xf32>
    %transpose3A_208 = tpu.transpose %slice3A_207, [1, 0] : vector<128x32xf32> -> vector<32x128xf32>
    %dot_general3A_209 = arith.constant dense<0.000000e+00> : vector<1x128xf32>
    %dot_general3A_210 = tpu.matmul %transpose3A, %transpose3A_208, %dot_general3A_209 {dimension_numbers = #tpu.dot_dimension_numbers<[1], [0], [0], [1], [0, 0, 1, 1], [], []>, precision = #tpu.contract_precision<fp32>, transpose_lhs_hint = false} : vector<1x32xf32>, vector<32x128xf32>, vector<1x128xf32> -> vector<1x128xf32>
    %slice3A_211 = vector.extract_strided_slice %max3A_163 {offsets = [1408, 0], sizes = [128, 32], strides = [1, 1]} : vector<2048x32xf32> to vector<128x32xf32>
    %transpose3A_212 = tpu.transpose %slice3A_211, [1, 0] : vector<128x32xf32> -> vector<32x128xf32>
    %dot_general3A_213 = arith.constant dense<0.000000e+00> : vector<1x128xf32>
    %dot_general3A_214 = tpu.matmul %transpose3A, %transpose3A_212, %dot_general3A_213 {dimension_numbers = #tpu.dot_dimension_numbers<[1], [0], [0], [1], [0, 0, 1, 1], [], []>, precision = #tpu.contract_precision<fp32>, transpose_lhs_hint = false} : vector<1x32xf32>, vector<32x128xf32>, vector<1x128xf32> -> vector<1x128xf32>
    %slice3A_215 = vector.extract_strided_slice %max3A_163 {offsets = [1536, 0], sizes = [128, 32], strides = [1, 1]} : vector<2048x32xf32> to vector<128x32xf32>
    %transpose3A_216 = tpu.transpose %slice3A_215, [1, 0] : vector<128x32xf32> -> vector<32x128xf32>
    %dot_general3A_217 = arith.constant dense<0.000000e+00> : vector<1x128xf32>
    %dot_general3A_218 = tpu.matmul %transpose3A, %transpose3A_216, %dot_general3A_217 {dimension_numbers = #tpu.dot_dimension_numbers<[1], [0], [0], [1], [0, 0, 1, 1], [], []>, precision = #tpu.contract_precision<fp32>, transpose_lhs_hint = false} : vector<1x32xf32>, vector<32x128xf32>, vector<1x128xf32> -> vector<1x128xf32>
    %slice3A_219 = vector.extract_strided_slice %max3A_163 {offsets = [1664, 0], sizes = [128, 32], strides = [1, 1]} : vector<2048x32xf32> to vector<128x32xf32>
    %transpose3A_220 = tpu.transpose %slice3A_219, [1, 0] : vector<128x32xf32> -> vector<32x128xf32>
    %dot_general3A_221 = arith.constant dense<0.000000e+00> : vector<1x128xf32>
    %dot_general3A_222 = tpu.matmul %transpose3A, %transpose3A_220, %dot_general3A_221 {dimension_numbers = #tpu.dot_dimension_numbers<[1], [0], [0], [1], [0, 0, 1, 1], [], []>, precision = #tpu.contract_precision<fp32>, transpose_lhs_hint = false} : vector<1x32xf32>, vector<32x128xf32>, vector<1x128xf32> -> vector<1x128xf32>
    %slice3A_223 = vector.extract_strided_slice %max3A_163 {offsets = [1792, 0], sizes = [128, 32], strides = [1, 1]} : vector<2048x32xf32> to vector<128x32xf32>
    %transpose3A_224 = tpu.transpose %slice3A_223, [1, 0] : vector<128x32xf32> -> vector<32x128xf32>
    %dot_general3A_225 = arith.constant dense<0.000000e+00> : vector<1x128xf32>
    %dot_general3A_226 = tpu.matmul %transpose3A, %transpose3A_224, %dot_general3A_225 {dimension_numbers = #tpu.dot_dimension_numbers<[1], [0], [0], [1], [0, 0, 1, 1], [], []>, precision = #tpu.contract_precision<fp32>, transpose_lhs_hint = false} : vector<1x32xf32>, vector<32x128xf32>, vector<1x128xf32> -> vector<1x128xf32>
    %slice3A_227 = vector.extract_strided_slice %max3A_163 {offsets = [1920, 0], sizes = [128, 32], strides = [1, 1]} : vector<2048x32xf32> to vector<128x32xf32>
    %transpose3A_228 = tpu.transpose %slice3A_227, [1, 0] : vector<128x32xf32> -> vector<32x128xf32>
    %dot_general3A_229 = arith.constant dense<0.000000e+00> : vector<1x128xf32>
    %dot_general3A_230 = tpu.matmul %transpose3A, %transpose3A_228, %dot_general3A_229 {dimension_numbers = #tpu.dot_dimension_numbers<[1], [0], [0], [1], [0, 0, 1, 1], [], []>, precision = #tpu.contract_precision<fp32>, transpose_lhs_hint = false} : vector<1x32xf32>, vector<32x128xf32>, vector<1x128xf32> -> vector<1x128xf32>
    %concatenate3A_231 = tpu.concatenate %dot_general3A_170, %dot_general3A_174, %dot_general3A_178, %dot_general3A_182, %dot_general3A_186, %dot_general3A_190, %dot_general3A_194, %dot_general3A_198, %dot_general3A_202, %dot_general3A_206, %dot_general3A_210, %dot_general3A_214, %dot_general3A_218, %dot_general3A_222, %dot_general3A_226, %dot_general3A_230 in 0 : vector<1x128xf32>, vector<1x128xf32>, vector<1x128xf32>, vector<1x128xf32>, vector<1x128xf32>, vector<1x128xf32>, vector<1x128xf32>, vector<1x128xf32>, vector<1x128xf32>, vector<1x128xf32>, vector<1x128xf32>, vector<1x128xf32>, vector<1x128xf32>, vector<1x128xf32>, vector<1x128xf32>, vector<1x128xf32> -> vector<16x128xf32>
    %get3A_232 = arith.constant 0 : index
    %get3A_233 = arith.constant 0 : index
    %get3A_234 = vector.load %arg12[%get3A_232, %get3A_233] : memref<1x1xf32, #tpu.memory_space<vmem>>, vector<1x1xf32>
    %add3A_235 = vector.broadcast %get3A_234 : vector<1x1xf32> to vector<16x128xf32>
    %add3A_236 = arith.addf %concatenate3A_231, %add3A_235 : vector<16x128xf32>
    %custom_jvp_call3A = arith.constant 0.000000e+00 : f32
    %max3A_237 = vector.broadcast %custom_jvp_call3A : f32 to vector<16x128xf32>
    %max3A_238 = arith.maximumf %add3A_236, %max3A_237 : vector<16x128xf32>
    %sub3A = vector.broadcast %custom_jvp_call3A : f32 to vector<16x128xf32>
    %sub3A_239 = arith.subf %add3A_236, %sub3A : vector<16x128xf32>
    %ne3A = arith.cmpf one, %sub3A_239, %sub3A_239 : vector<16x128xf32>
    %add3A_240 = vector.broadcast %custom_jvp_call3A : f32 to vector<16x128xf32>
    %add3A_241 = arith.addf %add3A_236, %add3A_240 : vector<16x128xf32>
    %abs3A = math.absf %sub3A_239 : vector<16x128xf32>
    %neg3A = arith.constant 0.000000e+00 : f32
    %neg3A_242 = vector.broadcast %neg3A : f32 to vector<16x128xf32>
    %neg3A_243 = arith.subf %neg3A_242, %abs3A : vector<16x128xf32>
    %exp3A = math.exp %neg3A_243 : vector<16x128xf32>
    %log1p3A = math.log1p %exp3A : vector<16x128xf32>
    %add3A_244 = arith.addf %max3A_238, %log1p3A : vector<16x128xf32>
    %select_n3A = arith.select %ne3A, %add3A_241, %add3A_244 : vector<16x128xi1>, vector<16x128xf32>
    %add3A_245 = arith.constant 9.99999968E-21 : f32
    %add3A_246 = vector.broadcast %add3A_245 : f32 to vector<16x128xf32>
    %add3A_247 = arith.addf %select_n3A, %add3A_246 : vector<16x128xf32>
    %reshape3A = vector.shape_cast %add3A_247 : vector<16x128xf32> to vector<2048xf32>
    %swap3A = arith.constant 0 : index
    %swap3A_248 = vector.load %arg21[%swap3A] : memref<2048xf32, #tpu.memory_space<vmem>>, vector<2048xf32>
    tpu.vector_store %arg21[%swap3A], %reshape3A {strides = array<i32>} : memref<2048xf32, #tpu.memory_space<vmem>>, vector<2048xf32>,
    %get3A_249 = arith.constant 0 : index
    %get3A_250 = arith.constant 0 : index
    %get3A_251 = vector.load %arg13[%get3A_249, %get3A_250] : memref<128x128xf32, #tpu.memory_space<vmem>>, vector<128x128xf32>
    %dot_general3A_252 = arith.constant dense<0.000000e+00> : vector<2048x128xf32>
    %dot_general3A_253 = tpu.matmul %concatenate3A, %get3A_251, %dot_general3A_252 {dimension_numbers = #tpu.dot_dimension_numbers<[1], [0], [0], [1], [0, 0, 1, 1], [], []>, precision = #tpu.contract_precision<fp32>, transpose_lhs_hint = false} : vector<2048x128xf32>, vector<128x128xf32>, vector<2048x128xf32> -> vector<2048x128xf32>
    %get3A_254 = arith.constant 0 : index
    %get3A_255 = arith.constant 0 : index
    %get3A_256 = vector.load %arg14[%get3A_254, %get3A_255] : memref<1x128xf32, #tpu.memory_space<vmem>>, vector<1x128xf32>
    %add3A_257 = vector.broadcast %get3A_256 : vector<1x128xf32> to vector<2048x128xf32>
    %add3A_258 = arith.addf %dot_general3A_253, %add3A_257 : vector<2048x128xf32>
    %max3A_259 = arith.constant 0.000000e+00 : f32
    %max3A_260 = vector.broadcast %max3A_259 : f32 to vector<2048x128xf32>
    %max3A_261 = arith.maximumf %add3A_258, %max3A_260 : vector<2048x128xf32>
    %get3A_262 = arith.constant 0 : index
    %get3A_263 = arith.constant 0 : index
    %get3A_264 = vector.load %arg4[%get3A_262, %get3A_263] : memref<2048x128xf32, #tpu.memory_space<vmem>>, vector<2048x128xf32>
    %add3A_265 = arith.addf %max3A_261, %get3A_264 : vector<2048x128xf32>
    %iota3A_266 = tpu.iota {dimensions = array<i32: 0>} : vector<2048x1xi32>
    %mul3A_267 = arith.constant 2048 : i32
    %mul3A_268 = arith.muli %arg0, %mul3A_267 : i32
    %sub3A_269 = arith.constant 10000 : i32
    %sub3A_270 = arith.subi %sub3A_269, %mul3A_268 : i32
    %lt3A = vector.broadcast %sub3A_270 : i32 to vector<2048x1xi32>
    %lt3A_271 = arith.cmpi slt, %iota3A_266, %lt3A : vector<2048x1xi32>
    %jit3A = arith.constant 0.000000e+00 : f32
    %broadcast_in_dim3A = vector.shape_cast %lt3A_271 : vector<2048x1xi1> to vector<2048x1xi1>
    %broadcast_in_dim3A_272 = vector.broadcast %broadcast_in_dim3A : vector<2048x1xi1> to vector<2048x128xi1>
    %broadcast_in_dim3A_273 = vector.broadcast %jit3A : f32 to vector<2048x128xf32>
    %select_n3A_274 = arith.select %broadcast_in_dim3A_272, %add3A_265, %broadcast_in_dim3A_273 : vector<2048x128xi1>, vector<2048x128xf32>
    %eq3A_275 = arith.constant 0 : i32
    %eq3A_276 = arith.cmpi eq, %arg0, %eq3A_275 : i32
    %convert_element_type3A_277 = arith.extui %eq3A_276 : i1 to i32
    %cond3A = arith.constant 0 : i32
    %cond3A_278 = arith.cmpi ne, %convert_element_type3A_277, %cond3A : i32
    scf.if %cond3A_278 {
      %broadcast_in_dim3A_293 = arith.constant 0.000000e+00 : f32
      %broadcast_in_dim3A_294 = vector.broadcast %broadcast_in_dim3A_293 : f32 to vector<1x128xf32>
      %swap3A_295 = arith.constant 0 : index
      %swap3A_296 = arith.constant 0 : index
      %swap3A_297 = vector.load %arg23[%swap3A_295, %swap3A_296] : memref<1x128xf32, #tpu.memory_space<vmem>>, vector<1x128xf32>
      tpu.vector_store %arg23[%swap3A_295, %swap3A_296], %broadcast_in_dim3A_294 {strides = array<i32>} : memref<1x128xf32, #tpu.memory_space<vmem>>, vector<1x128xf32>,
    } else {
    }
    %get3A_279 = arith.constant 0 : index
    %get3A_280 = arith.constant 0 : index
    %get3A_281 = vector.load %arg23[%get3A_279, %get3A_280] : memref<1x128xf32, #tpu.memory_space<vmem>>, vector<1x128xf32>
    %reduce_sum3A = arith.constant dense<0.000000e+00> : vector<128xf32>
    %reduce_sum3A_282 = vector.multi_reduction <add>, %select_n3A_274, %reduce_sum3A [0] : vector<2048x128xf32> to vector<128xf32>
    %broadcast_in_dim3A_283 = vector.shape_cast %reduce_sum3A_282 : vector<128xf32> to vector<1x128xf32>
    %add3A_284 = arith.addf %get3A_281, %broadcast_in_dim3A_283 : vector<1x128xf32>
    %swap3A_285 = arith.constant 0 : index
    %swap3A_286 = arith.constant 0 : index
    %swap3A_287 = vector.load %arg23[%swap3A_285, %swap3A_286] : memref<1x128xf32, #tpu.memory_space<vmem>>, vector<1x128xf32>
    tpu.vector_store %arg23[%swap3A_285, %swap3A_286], %add3A_284 {strides = array<i32>} : memref<1x128xf32, #tpu.memory_space<vmem>>, vector<1x128xf32>,
    %eq3A_288 = arith.constant 4 : i32
    %eq3A_289 = arith.cmpi eq, %arg0, %eq3A_288 : i32
    %convert_element_type3A_290 = arith.extui %eq3A_289 : i1 to i32
    %cond3A_291 = arith.constant 0 : i32
    %cond3A_292 = arith.cmpi ne, %convert_element_type3A_290, %cond3A_291 : i32
    scf.if %cond3A_292 {
      %get3A_293 = arith.constant 0 : index
      %get3A_294 = arith.constant 0 : index
      %get3A_295 = vector.load %arg23[%get3A_293, %get3A_294] : memref<1x128xf32, #tpu.memory_space<vmem>>, vector<1x128xf32>
      %get3A_296 = arith.constant 0 : index
      %get3A_297 = arith.constant 0 : index
      %get3A_298 = vector.load %arg15[%get3A_296, %get3A_297] : memref<128x32xf32, #tpu.memory_space<vmem>>, vector<128x32xf32>
      %dot_general3A_299 = arith.constant dense<0.000000e+00> : vector<1x32xf32>
      %dot_general3A_300 = tpu.matmul %get3A_295, %get3A_298, %dot_general3A_299 {dimension_numbers = #tpu.dot_dimension_numbers<[1], [0], [0], [1], [0, 0, 1, 1], [], []>, precision = #tpu.contract_precision<fp32>, transpose_lhs_hint = false} : vector<1x128xf32>, vector<128x32xf32>, vector<1x32xf32> -> vector<1x32xf32>
      %get3A_301 = arith.constant 0 : index
      %get3A_302 = arith.constant 0 : index
      %get3A_303 = vector.load %arg16[%get3A_301, %get3A_302] : memref<1x32xf32, #tpu.memory_space<vmem>>, vector<1x32xf32>
      %add3A_304 = arith.addf %dot_general3A_300, %get3A_303 : vector<1x32xf32>
      %max3A_305 = arith.constant 0.000000e+00 : f32
      %max3A_306 = vector.broadcast %max3A_305 : f32 to vector<1x32xf32>
      %max3A_307 = arith.maximumf %add3A_304, %max3A_306 : vector<1x32xf32>
      %get3A_308 = arith.constant 0 : index
      %get3A_309 = arith.constant 0 : index
      %get3A_310 = vector.load %arg17[%get3A_308, %get3A_309] : memref<32x32xf32, #tpu.memory_space<vmem>>, vector<32x32xf32>
      %dot_general3A_311 = arith.constant dense<0.000000e+00> : vector<1x32xf32>
      %dot_general3A_312 = tpu.matmul %max3A_307, %get3A_310, %dot_general3A_311 {dimension_numbers = #tpu.dot_dimension_numbers<[1], [0], [0], [1], [0, 0, 1, 1], [], []>, precision = #tpu.contract_precision<fp32>, transpose_lhs_hint = false} : vector<1x32xf32>, vector<32x32xf32>, vector<1x32xf32> -> vector<1x32xf32>
      %get3A_313 = arith.constant 0 : index
      %get3A_314 = arith.constant 0 : index
      %get3A_315 = vector.load %arg18[%get3A_313, %get3A_314] : memref<1x32xf32, #tpu.memory_space<vmem>>, vector<1x32xf32>
      %add3A_316 = arith.addf %dot_general3A_312, %get3A_315 : vector<1x32xf32>
      %max3A_317 = arith.constant 0.000000e+00 : f32
      %max3A_318 = vector.broadcast %max3A_317 : f32 to vector<1x32xf32>
      %max3A_319 = arith.maximumf %add3A_316, %max3A_318 : vector<1x32xf32>
      %get3A_320 = arith.constant 0 : index
      %get3A_321 = arith.constant 0 : index
      %get3A_322 = vector.load %arg19[%get3A_320, %get3A_321] : memref<32x1xf32, #tpu.memory_space<vmem>>, vector<32x1xf32>
      %dot_general3A_323 = arith.constant dense<0.000000e+00> : vector<1x1xf32>
      %dot_general3A_324 = tpu.matmul %max3A_319, %get3A_322, %dot_general3A_323 {dimension_numbers = #tpu.dot_dimension_numbers<[1], [0], [0], [1], [0, 0, 1, 1], [], []>, precision = #tpu.contract_precision<fp32>, transpose_lhs_hint = false} : vector<1x32xf32>, vector<32x1xf32>, vector<1x1xf32> -> vector<1x1xf32>
      %get3A_325 = arith.constant 0 : index
      %get3A_326 = arith.constant 0 : index
      %get3A_327 = vector.load %arg20[%get3A_325, %get3A_326] : memref<1x1xf32, #tpu.memory_space<vmem>>, vector<1x1xf32>
      %add3A_328 = arith.addf %dot_general3A_324, %get3A_327 : vector<1x1xf32>
      %swap3A_329 = arith.constant 0 : index
      %swap3A_330 = arith.constant 0 : index
      %swap3A_331 = vector.load %arg22[%swap3A_329, %swap3A_330] : memref<1x1xf32, #tpu.memory_space<vmem>>, vector<1x1xf32>
      tpu.vector_store %arg22[%swap3A_329, %swap3A_330], %add3A_328 {strides = array<i32>} : memref<1x1xf32, #tpu.memory_space<vmem>>, vector<1x1xf32>,
    } else {
    }
    return
  }
  func.func @transform_0(%arg0: i32) -> (i32, i32, i32) {
    %c0_i32 = arith.constant 0 : i32
    %c0_i32_0 = arith.constant 0 : i32
    %c0_i32_1 = arith.constant 0 : i32
    return %c0_i32, %arg0, %c0_i32_0 : i32, i32, i32
  }
  func.func @transform_1(%arg0: i32) -> (i32, i32) {
    %c0_i32 = arith.constant 0 : i32
    %c0_i32_0 = arith.constant 0 : i32
    return %arg0, %c0_i32 : i32, i32
  }
  func.func @transform_2(%arg0: i32) -> (i32, i32, i32) {
    %c0_i32 = arith.constant 0 : i32
    %c0_i32_0 = arith.constant 0 : i32
    %c0_i32_1 = arith.constant 0 : i32
    return %c0_i32, %arg0, %c0_i32_0 : i32, i32, i32
  }
  func.func @transform_3(%arg0: i32) -> (i32, i32) {
    %c0_i32 = arith.constant 0 : i32
    %c0_i32_0 = arith.constant 0 : i32
    return %arg0, %c0_i32 : i32, i32
  }
  func.func @transform_4(%arg0: i32) -> (i32, i32) {
    %c0_i32 = arith.constant 0 : i32
    %c0_i32_0 = arith.constant 0 : i32
    %c0_i32_1 = arith.constant 0 : i32
    return %c0_i32, %c0_i32_0 : i32, i32
  }
  func.func @transform_5(%arg0: i32) -> (i32, i32) {
    %c0_i32 = arith.constant 0 : i32
    %c0_i32_0 = arith.constant 0 : i32
    %c0_i32_1 = arith.constant 0 : i32
    return %c0_i32, %c0_i32_0 : i32, i32
  }
  func.func @transform_6(%arg0: i32) -> (i32, i32) {
    %c0_i32 = arith.constant 0 : i32
    %c0_i32_0 = arith.constant 0 : i32
    %c0_i32_1 = arith.constant 0 : i32
    return %c0_i32, %c0_i32_0 : i32, i32
  }
  func.func @transform_7(%arg0: i32) -> (i32, i32) {
    %c0_i32 = arith.constant 0 : i32
    %c0_i32_0 = arith.constant 0 : i32
    %c0_i32_1 = arith.constant 0 : i32
    return %c0_i32, %c0_i32_0 : i32, i32
  }
  func.func @transform_8(%arg0: i32) -> (i32, i32) {
    %c0_i32 = arith.constant 0 : i32
    %c0_i32_0 = arith.constant 0 : i32
    %c0_i32_1 = arith.constant 0 : i32
    return %c0_i32, %c0_i32_0 : i32, i32
  }
  func.func @transform_9(%arg0: i32) -> (i32, i32) {
    %c0_i32 = arith.constant 0 : i32
    %c0_i32_0 = arith.constant 0 : i32
    %c0_i32_1 = arith.constant 0 : i32
    return %c0_i32, %c0_i32_0 : i32, i32
  }
  func.func @transform_10(%arg0: i32) -> (i32, i32) {
    %c0_i32 = arith.constant 0 : i32
    %c0_i32_0 = arith.constant 0 : i32
    %c0_i32_1 = arith.constant 0 : i32
    return %c0_i32, %c0_i32_0 : i32, i32
  }
  func.func @transform_11(%arg0: i32) -> (i32, i32) {
    %c0_i32 = arith.constant 0 : i32
    %c0_i32_0 = arith.constant 0 : i32
    %c0_i32_1 = arith.constant 0 : i32
    return %c0_i32, %c0_i32_0 : i32, i32
  }
  func.func @transform_12(%arg0: i32) -> (i32, i32) {
    %c0_i32 = arith.constant 0 : i32
    %c0_i32_0 = arith.constant 0 : i32
    %c0_i32_1 = arith.constant 0 : i32
    return %c0_i32, %c0_i32_0 : i32, i32
  }
  func.func @transform_13(%arg0: i32) -> (i32, i32) {
    %c0_i32 = arith.constant 0 : i32
    %c0_i32_0 = arith.constant 0 : i32
    %c0_i32_1 = arith.constant 0 : i32
    return %c0_i32, %c0_i32_0 : i32, i32
  }
  func.func @transform_14(%arg0: i32) -> (i32, i32) {
    %c0_i32 = arith.constant 0 : i32
    %c0_i32_0 = arith.constant 0 : i32
    %c0_i32_1 = arith.constant 0 : i32
    return %c0_i32, %c0_i32_0 : i32, i32
  }
  func.func @transform_15(%arg0: i32) -> (i32, i32) {
    %c0_i32 = arith.constant 0 : i32
    %c0_i32_0 = arith.constant 0 : i32
    %c0_i32_1 = arith.constant 0 : i32
    return %c0_i32, %c0_i32_0 : i32, i32
  }
  func.func @transform_16(%arg0: i32) -> (i32, i32) {
    %c0_i32 = arith.constant 0 : i32
    %c0_i32_0 = arith.constant 0 : i32
    %c0_i32_1 = arith.constant 0 : i32
    return %c0_i32, %c0_i32_0 : i32, i32
  }
  func.func @transform_17(%arg0: i32) -> (i32, i32) {
    %c0_i32 = arith.constant 0 : i32
    %c0_i32_0 = arith.constant 0 : i32
    %c0_i32_1 = arith.constant 0 : i32
    return %c0_i32, %c0_i32_0 : i32, i32
  }
  func.func @transform_18(%arg0: i32) -> (i32, i32) {
    %c0_i32 = arith.constant 0 : i32
    %c0_i32_0 = arith.constant 0 : i32
    %c0_i32_1 = arith.constant 0 : i32
    return %c0_i32, %c0_i32_0 : i32, i32
  }
  func.func @transform_19(%arg0: i32) -> (i32, i32) {
    %c0_i32 = arith.constant 0 : i32
    %c0_i32_0 = arith.constant 0 : i32
    %c0_i32_1 = arith.constant 0 : i32
    return %c0_i32, %c0_i32_0 : i32, i32
  }
  func.func @transform_20(%arg0: i32) -> i32 {
    %c0_i32 = arith.constant 0 : i32
    return %arg0 : i32
  }
  func.func @transform_21(%arg0: i32) -> (i32, i32) {
    %c0_i32 = arith.constant 0 : i32
    %c0_i32_0 = arith.constant 0 : i32
    %c0_i32_1 = arith.constant 0 : i32
    return %c0_i32, %c0_i32_0 : i32, i32
  }
}

</mosaic_0001>

<sc_bundles>
// kernel: kernel.10.cloned.1.call-start
scs
__scs_entry_jumppad:
0x0: {  	(pc) =	sbr.rel $0x88, $3  }
0x1: {  	(tag) =	ssettag $0x0;
	lr =	simm.s32 $0x1  }
0x2: {  	[smem:$0x3F8F] =	sst lr;
	_ =	strace $0xD0000000  }
0x3: {  	_ = 	snop  }
0x4: {  	_ = 	snop  }
0x5: {  	_ = 	snop  }
0x6: {  	_ = 	snop  }
0x7: {  	_ = 	snop  }
__scs_overlays_trampoline_lowered:
0x8: {  	[smem:$0x3F9E] =	sst s0  }
0x9: {  	[smem:$0x3F9F] =	sst s1  }
0xa: {  	[smem:$0x3FA0] =	sst s2  }
0xb: {  	[smem:$0x3FA1] =	sst s3  }
0xc: {  	[smem:$0x3FA2] =	sst s4  }
0xd: {  	[smem:$0x3FA3] =	sst s5  }
0xe: {  	[smem:$0x3FA4] =	sst s6  }
0xf: {  	[smem:$0x3FA5] =	sst s7  }
0x10: {  	[smem:$0x3FA6] =	sst s8  }
0x11: {  	[smem:$0x3FA7] =	sst s9;
	s0 =	simm.s32 @!p0 $0x0  }
0x12: {  	s1 =	sld [smem:$0x3F8D];
	s0 =	simm.s32 @p0 $0x1  }
0x13: {  	[smem:$0x3FA8] =	sst s0;
	s0 =	simm.s32 @!p1 $0x0  }
0x14: {  	s2 =	sld [smem:$0x3F8C];
	s0 =	simm.s32 @p1 $0x1  }
0x15: {  	[smem:$0x3FA9] =	sst s0;
	s0 =	simm.s32 @!p2 $0x0  }
0x16: {  	s3 =	sld [smem:$0x3FDB];
	s0 =	simm.s32 @p2 $0x1  }
0x17: {  	s4 =	simm.s32 $0x1BF5;
	[smem:$0x3FAB] =	sst s0  }
0x18: {  	s0 =	sld [smem:$0x3F8E];
	_ =	swait.ge [sflag:s4], $0x0  }
0x19: {  	s7 =	sld [smem:$0x3F8F]  }
0x1a: {  	s8 =	sadd.s32 $0xFFFFE003, lr  }
0x1b: {  	s9 =	sadd.s32 $0xFFFFFEF7, lr;
	s5 =	simm.s32 $0xFFFFFFFF;
	p2 =	slt.u32 s8, $0xFFFFF086  }
0x1c: {  	p1 =	slt.u32 s9, $0xF7A;
	s5 =	simm.s32 @!p2 $0x0  }
0x1d: {  	s5 =	simm.s32 @p1 $0x1;
	p0 =	seq.s32 s7, s2  }
0x1e: {  	s7 =	smul.u32 @!p0 $0xF7A, s2;
	p2 =	seq.s32 @!p0 s5, $0x0  }
0x1f: {  	s9 =	smul.u32 $0xF7A, s1;
	s8 =	simm.s32 @!p0 $0x1BF5;
	p2 =	por !p2, p0  }
0x20: {  	[sflag:s8] =	ssyncset.s32 @!p0 $0xFFFFF086;
	s6 =	sadd.s32 @!p0 s3, s7;
	s7 =	simm.s32 @!p0 $0x108  }
0x21: {  	s3 =	sadd.s32 s3, s9;
	s6 =	sadd.s32 @!p0 $0x88, s6;
	s7 =	simm.s32 @p2 $0x1082  }
0x22: {  	[simem:s7], [sflag:s8] =	dma.local @!p0 [hbm:s6], $0xF7A  }
0x23: {  	s9 =	sor.u32 $0xD0000000, s2;
	s6 =	simm.s32 $0x108;
	_ =	swait.ge @!p0 [sflag:s8], $0x0  }
0x24: {  	s3 =	sadd.s32 $0x88, s3;
	s6 =	simm.s32 @!p1 $0x1082;
	[sflag:s4] =	ssyncset.s32 $0xFFFFF086  }
0x25: {  	[simem:s6], [sflag:s4] =	dma.local [hbm:s3], $0xF7A  }
0x26: {  	[smem:$0x3F8F] =	sst s1;
	(tag) =	ssettag s2;
	_ =	strace s9  }
0x27: {  	s1 =	sld [smem:$0x3F9F]  }
0x28: {  	s2 =	sld [smem:$0x3FA0]  }
0x29: {  	s4 =	sld [smem:$0x3FA2]  }
0x2a: {  	p0 =	seq.s32 s5, $0x0;
	s5 =	sld [smem:$0x3FA3]  }
0x2b: {  	s6 =	sld [smem:$0x3FA4]  }
0x2c: {  	s7 =	sld [smem:$0x3FA5]  }
0x2d: {  	s3 =	simm.s32 $0x108;
	s8 =	sld [smem:$0x3FA6]  }
0x2e: {  	s3 =	simm.s32 @!p0 $0x1082;
	s9 =	sld [smem:$0x3FA7]  }
0x2f: {  	lr =	sadd.s32 s0, s3;
	s0 =	sld [smem:$0x3F9E]  }
0x30: {  	s3 =	sld [smem:$0x3FA1]  }
0x31: {  	[smem:$0x3FAA] =	sst s10  }
0x32: {  	s10 =	sld [smem:$0x3FA8];
	_ =	sdelay $0x3  }
0x33: {  	p0 =	seq.s32 s10, $0x1;
	s10 =	sld [smem:$0x3FAA];
	_ =	sdelay $0x3  }
0x34: {  	[smem:$0x3FAA] =	sst s10  }
0x35: {  	s10 =	sld [smem:$0x3FA9];
	_ =	sdelay $0x3  }
0x36: {  	p1 =	seq.s32 s10, $0x1;
	s10 =	sld [smem:$0x3FAA];
	_ =	sdelay $0x3  }
0x37: {  	[smem:$0x3FAA] =	sst s10  }
0x38: {  	s10 =	sld [smem:$0x3FAB]  }
0x39: {  	_ = 	snop;
	(pc) =	sbr.ind lr, $3  }
0x3a: {  	_ = 	snop  }
0x3b: {  	_ = 	snop  }
0x3c: {  	p2 =	seq.s32 s10, $0x1;
	s10 =	sld [smem:$0x3FAA]  }
0x3d: {  	_ =	shalt  }
0x3e: {  	_ =	shalt  }
0x3f: {  	_ =	shalt  }
0x40: {  	_ =	shalt  }
0x41: {  	_ =	shalt  }
0x42: {  	_ =	shalt  }
0x43: {  	_ =	shalt  }
0x44: {  	_ =	shalt  }
0x45: {  	_ =	shalt  }
0x46: {  	_ =	shalt  }
0x47: {  	_ =	shalt  }
0x48: {  	_ =	shalt  }
0x49: {  	_ =	shalt  }
0x4a: {  	_ =	shalt  }
0x4b: {  	_ =	shalt  }
0x4c: {  	_ =	shalt  }
0x4d: {  	_ =	shalt  }
0x4e: {  	_ =	shalt  }
0x4f: {  	_ =	shalt  }
0x50: {  	_ =	shalt  }
0x51: {  	_ =	shalt  }
0x52: {  	_ =	shalt  }
0x53: {  	_ =	shalt  }
0x54: {  	_ =	shalt  }
0x55: {  	_ =	shalt  }
0x56: {  	_ =	shalt  }
0x57: {  	_ =	shalt  }
0x58: {  	_ =	shalt  }
0x59: {  	_ =	shalt  }
0x5a: {  	_ =	shalt  }
0x5b: {  	_ =	shalt  }
0x5c: {  	_ =	shalt  }
0x5d: {  	_ =	shalt  }
0x5e: {  	_ =	shalt  }
0x5f: {  	_ =	shalt  }
0x60: {  	_ =	shalt  }
0x61: {  	_ =	shalt  }
0x62: {  	_ =	shalt  }
0x63: {  	_ =	shalt  }
0x64: {  	_ =	shalt  }
0x65: {  	_ =	shalt  }
0x66: {  	_ =	shalt  }
0x67: {  	_ =	shalt  }
0x68: {  	_ =	shalt  }
0x69: {  	_ =	shalt  }
0x6a: {  	_ =	shalt  }
0x6b: {  	_ =	shalt  }
0x6c: {  	_ =	shalt  }
0x6d: {  	_ =	shalt  }
0x6e: {  	_ =	shalt  }
0x6f: {  	_ =	shalt  }
0x70: {  	_ =	shalt  }
0x71: {  	_ =	shalt  }
0x72: {  	_ =	shalt  }
0x73: {  	_ =	shalt  }
0x74: {  	_ =	shalt  }
0x75: {  	_ =	shalt  }
0x76: {  	_ =	shalt  }
0x77: {  	_ =	shalt  }
0x78: {  	_ =	shalt  }
0x79: {  	_ =	shalt  }
0x7a: {  	_ =	shalt  }
0x7b: {  	_ =	shalt  }
0x7c: {  	_ =	shalt  }
0x7d: {  	_ =	shalt  }
0x7e: {  	_ =	shalt  }
0x7f: {  	_ =	shalt  }
0x80: {  	_ =	shalt  }
0x81: {  	_ =	shalt  }
0x82: {  	_ =	shalt  }
0x83: {  	_ =	shalt  }
0x84: {  	_ =	shalt  }
0x85: {  	_ =	shalt  }
0x86: {  	_ =	shalt  }
0x87: {  	_ =	shalt  }
.Lfunc_end0:
.L_simem_size_0:
called_computation.1_lowered:
.L_overlay_start_0:
0x88: {  	s2 =	sld [smem:$0x3FD9]  }
0x89: {  	s3 =	sld [smem:$0x3FFE];
	_ =	sdelay $0x1  }
0x8a: {  	s1 =	srdreg.scid  }
0x8b: {  	s0 =	sand.u32 $0x1, s1  }
0x8c: {  	s16 =	sshll.u32 s0, $0xA;
	s2 =	sadd.s32 s3, s2  }
0x8d: {  	s2 =	sadd.s32 s2, s16  }
0x8e: {  	[smem:$0x3FB6] =	sst s2  }
0x8f: {  	_ = 	snop  }
0x90: {  	(tm) =	ssettm $0x1  }
0x91: {  	s17 =	sld [smem:$0x3FFB];
	_ =	sdelay $0x3  }
0x92: {  	_ =	strace s17  }
0x93: {  	s2 =	sld [smem:$0x3FFC];
	_ =	sdelay $0x3  }
0x94: {  	_ =	strace s2  }
0x95: {  	s2 =	sld [smem:$0x3FFD];
	_ =	sdelay $0x3  }
0x96: {  	_ =	strace s2  }
0x97: {  	_ =	strace $0x8FFFFFFF  }
0x98: {  	s18 =	sld [smem:$0x3FDB];
	_ =	sdelay $0x1  }
0x99: {  	s19 =	simm.s32 $_scs_section_size  }
0x9a: {  	s4 =	simm.s32 $_size__tile_overlayer_lowered;
	s5 =	simm.s32 $_tile_overlayer_lowered  }
0x9b: {  	s22 =	simm.s32 $0x1BFF;
	s21 =	sshll.u32 s5, $0x1;
	s2 =	sadd.s32 s19, s18  }
0x9c: {  	s6 =	simm.s32 $0x0;
	s20 =	sshll.u32 s4, $0x1;
	s4 =	sadd.s32 s21, s2  }
0x9d: {  	[timem:s6], [sflag:s22] =	dma.local [hbm:s4], s20  }
0x9e: {  	_ =	swait.ge [sflag:s22], s20  }
0x9f: {  	s3 =	ssub.s32 $0x0, s20;
	[sflag:s22] =	ssyncset.done $0x0  }
0xa0: {  	[sflag:s22] =	ssyncadd.s32 s3;
	_ =	sdelay $0x1  }
0xa1: {  	s23 =	simm.s32 $0x1B8B  }
0xa2: {  	_ =	swait.ge [sflag:s23], $0x1  }
0xa3: {  	[sflag:s23] =	ssyncset.done $0x0  }
0xa4: {  	s25 =	simm.s32 $0x1B8E;
	s24 =	sld [smem:$0x3FFE];
	[sflag:s23] =	ssyncadd.s32 $0xFFFFFFFF  }
0xa5: {  	s26 =	simm.s32 $execute0_lowered;
	[smem:$0x3FD2] =	sst s25  }
0xa6: {  	s4 =	sshll.u32 s26, $0x1;
	_ =	strace $0x80000049;
	[dreg:$0x1] =	wrdreg $0xFFFFFFFF  }
0xa7: {  	s28 =	simm.s32 $_size_execute0_lowered;
	s2 =	sadd.s32 s2, s4;
	[dreg:$0x0] =	wrdreg $0x0  }
0xa8: {  	s4 =	sshll.u32 s28, $0x1;
	[dreg:$0x2] =	wrdreg s2  }
0xa9: {  	[dreg:$0x3] =	wrdreg s4  }
0xaa: {  	[dreg:$0x4] =	wrdreg $0xC0  }
0xab: {  	_ =	task [dreg:s6], $0x5FFFF  }
0xac: {  	[dreg:$0x1] =	wrdreg $0xFFFFFFFF  }
0xad: {  	[dreg:$0x0] =	wrdreg $0x60  }
0xae: {  	[dreg:$0x2] =	wrdreg s24  }
0xaf: {  	[dreg:$0x3] =	wrdreg $0x82000  }
0xb0: {  	[dreg:$0x4] =	wrdreg $0x9  }
0xb1: {  	_ =	task.clear_ibuf [dreg:s6], $0x5FFFF;
	_ =	strace $0x90000049  }
0xb2: {  	s29 =	simm.s32 $0x9;
	_ =	strace $0x8000004B  }
0xb3: {  	_ =	swait.ge [sflag:s29], $0x1  }
0xb4: {  	[sflag:s29] =	ssyncadd.s32 $0xFFFFFFFF  }
0xb5: {  	_ =	strace $0x9000004B  }
0xb6: {  	_ =	sfence  }
0xb7: {  	s30 =	sld [smem:$0x0];
	_ =	sdelay $0x2  }
0xb8: {  	s31 =	sshll.u32 s1, $0xD;
	s1 =	sshrl.u32 s1, $0x2  }
0xb9: {  	s3 =	sand.u32 $0x4000, s31;
	s1 =	sadd.s32 s1, s30  }
0xba: {  	s0 =	sor.u32 s3, s0;
	s1 =	sshll.u32 s1, $0x11  }
0xbb: {  	s0 =	sor.u32 s1, s0  }
0xbc: {  	s0 =	sadd.s32 $0x8F2B, s0  }
0xbd: {  	[sflag:s0] =	ssyncadd.remote.s32 $0x1  }
0xbe: {  	_ =	sfence.sel $0xFFFF  }
0xbf: {  	[dreg:$0x0] =	wrdreg $0xFFFFFFFF;
	(pc) =	sbr.abs _section_cstart, $3  }
0xc0: {  	[dreg:$0x1] =	wrdreg $0xFFFFFFFF  }
0xc1: {  	_ =	task.clear_ibuf [dreg:s6], $0x2FFFF;
	_ =	strace $0x9FFFFFFF  }
0xc2: {  	(tm) =	ssettm $0x7FFFFFFF  }
0xc3: {  	_ =	shalt  }
tec
execute0_lowered:
.L_overlay_start_1:
0x0: {  	(tag) =	ssettag $0x1  }
0x1: {  	s0 =	rddreg [dreg:$0x0]  }
0x2: {  	s1 =	rddreg [dreg:$0x1];
	s2 =	srdreg.scid  }
0x3: {  	s3 =	simm.s32 $0x0;
	s20 =	stileid.u32;
	s18 =	simm.s32 $0x7  }
0x4: {  	s19 =	simm.s32 $0x100;
	s28 =	simm.s32 $0x4;
	s7 =	smul.u32 $0x14000, s20  }
0x5: {  	s29 =	simm.s32 $0x180;
	s30 =	simm.s32 $0x0;
	s10 =	smul.u32 $0x50000, s20  }
0x6: {  	s9 =	sand.u32 $0x1, s2;
	[smem:$0x7FF] =	sst s3;
	s17 =	smul.u32 $0x2800, s20  }
0x7: {  	s4 =	sadd.s32 $0x17A00, s0;
	s6 =	smul.u32 $0x140000, s9;
	s5 =	sshll.u32 s9, $0x4  }
0x8: {  	_ =	strace $0x8000004A;
	s22 =	ssub.s32 $0x2, s9;
	s16 =	smul.u32 $0x28000, s9  }
0x9: {  	s8 =	sor.u32 s20, s5;
	s5 =	sadd.s32 $0x3A00, s0;
	s23 =	sshrl.u32 s22, $0x1  }
0xa: {  	s24 =	sshrl.u32 s10, $0x2;
	s20 =	simm.s32 $0x80;
	s6 =	sadd.s32 s7, s6  }
0xb: {  	s21 =	smul.u32 $0x2800, s8;
	s12 =	ssub.s32 s22, s23;
	s31 =	sadd.s32 s17, s16  }
0xc: {  	s17 =	simm.s32 $0x200;
	s22 =	simm.s32 $0x2;
	s23 =	simm.s32 $0x4200  }
0xd: {  	s6 =	sshrl.u32 s6, $0x3;
	s12 =	smax.u32 s12, $0x1;
	[dreg:$0x3] =	wrdreg s31  }
0xe: {  	s0 =	sadd.s32 s6, s0;
	s7 =	sshrl.u32 s21, $0x3;
	s21 =	simm.s32 $0x1  }
0xf: {  	s6 =	sadd.s32 s5, s7;
	s7 =	sadd.s32 s24, s1;
	s11 =	sadd.s32 $0x3EC00, s0  }
0x10: {  	s24 =	simm.s32 $0x5;
	s25 =	sadd.s32 $0xA000, s6;
	s26 =	sadd.s32 $0x10, s6  }
0x11: {  	s10 =	sadd.s32 $0xA010, s6;
	s13 =	sadd.s32 $0x4000, s7;
	s14 =	sadd.s32 $0x8000, s7  }
0x12: {  	s15 =	sadd.s32 $0xC000, s7;
	s16 =	sadd.s32 $0x10000, s7;
	[dreg:$0x4] =	wrdreg s25  }
0x13: {  	v0 =	vimm.f32 $0.0e+00;
	[dreg:$0x5] =	wrdreg s26;
	s25 =	simm.s32 $0x3;
	s26 =	simm.s32 $0x6  }
.LBB2_1:
0x14: {  	s31 =	simm.s32 $0x0;
	s0 =	simm.s32 $0x200  }
.LBB2_2:
0x15: {  	p0 =	sne.s32 s0, $0xFE00;
	[tilespmem:s31+$0x270] =	vst v0  }
0x16: {  	[tilespmem:s31+$0x200] =	vst v0  }
0x17: {  	[tilespmem:s31+$0x210] =	vst v0  }
.Ltmp0:
0x18: {  	[tilespmem:s31+$0x220] =	vst v0;
	(pc) =	sbr.rel @p0 .LBB2_2-.Ltmp0, $4  }
0x19: {  	[tilespmem:s31+$0x230] =	vst v0  }
0x1a: {  	[tilespmem:s31+$0x240] =	vst v0  }
0x1b: {  	[tilespmem:s31+$0x250] =	vst v0  }
0x1c: {  	[tilespmem:s31+$0x260] =	vst v0;
	s31 =	sshra.s32 s0, $0x2;
	s0 =	sadd.s32 $0x200, s0  }
0x1d: {  	[tilespmem:s31+$0x270] =	vst v0  }
0x1e: {  	[tilespmem:s31+$0x200] =	vst v0  }
0x1f: {  	[tilespmem:s31+$0x210] =	vst v0  }
0x20: {  	[tilespmem:s31+$0x220] =	vst v0  }
0x21: {  	[tilespmem:s31+$0x230] =	vst v0  }
0x22: {  	[tilespmem:s31+$0x240] =	vst v0  }
0x23: {  	[tilespmem:s31+$0x250] =	vst v0  }
0x24: {  	[tilespmem:s31+$0x260] =	vst v0  }
0x25: {  	[spmem:s7] =	stream.linear.scatter [tilespmem:s17], [sflag:$0x7], $0x4000, $0x38;
	[tilespmem:$0x1C200] =	vst v63  }
0x26: {  	_ =	swait.ge [sflag:s18], $0x4000  }
0x27: {  	[sflag:s18] =	ssyncset.done $0x0  }
0x28: {  	[sflag:s18] =	ssyncadd.s32 $0xFFFFC000  }
0x29: {  	[spmem:s13] =	stream.linear.scatter [tilespmem:s17], [sflag:$0x7], $0x4000, $0x38;
	[tilespmem:$0x1C200] =	vst v63  }
0x2a: {  	_ =	swait.ge [sflag:s18], $0x4000  }
0x2b: {  	[sflag:s18] =	ssyncset.done $0x0  }
0x2c: {  	[sflag:s18] =	ssyncadd.s32 $0xFFFFC000  }
0x2d: {  	[spmem:s14] =	stream.linear.scatter [tilespmem:s17], [sflag:$0x7], $0x4000, $0x38;
	[tilespmem:$0x1C200] =	vst v63  }
0x2e: {  	_ =	swait.ge [sflag:s18], $0x4000  }
0x2f: {  	[sflag:s18] =	ssyncset.done $0x0  }
0x30: {  	[sflag:s18] =	ssyncadd.s32 $0xFFFFC000  }
0x31: {  	[spmem:s15] =	stream.linear.scatter [tilespmem:s17], [sflag:$0x7], $0x4000, $0x38;
	[tilespmem:$0x1C200] =	vst v63  }
0x32: {  	_ =	swait.ge [sflag:s18], $0x4000  }
0x33: {  	[sflag:s18] =	ssyncset.done $0x0  }
0x34: {  	[sflag:s18] =	ssyncadd.s32 $0xFFFFC000  }
0x35: {  	[spmem:s16] =	stream.linear.scatter [tilespmem:s17], [sflag:$0x7], $0x4000, $0x38;
	[tilespmem:$0x1C200] =	vst v63  }
0x36: {  	_ =	swait.ge [sflag:s18], $0x4000  }
0x37: {  	[sflag:s18] =	ssyncset.done $0x0  }
0x38: {  	[sflag:s18] =	ssyncadd.s32 $0xFFFFC000  }
0x39: {  	[bflag:$0x0] =	sbarrier.arrive $0xFFFF  }
0x3a: {  	[tilespmem:s3], [sflag:$0x1] =	stream.linear.gather [hbm4b:s6+s3], $0x80, $0x38;
	[tilespmem:$0x1C200] =	vst v63  }
0x3b: {  	s0 =	rddreg [dreg:$0x4]  }
0x3c: {  	[tilespmem:s19], [sflag:$0x3] =	stream.linear.gather [hbm4b:s0+s3], $0x80, $0x38;
	[tilespmem:$0x1C200] =	vst v63  }
0x3d: {  	s8 =	rddreg [dreg:$0x5]  }
0x3e: {  	[tilespmem:s20], [sflag:$0x2] =	stream.linear.gather [hbm4b:s8+s3], $0x80, $0x38;
	[tilespmem:$0x1C200] =	vst v63  }
0x3f: {  	s9 =	simm.s32 $0x180  }
0x40: {  	[tilespmem:s9], [sflag:$0x4] =	stream.linear.gather [hbm4b:s10+s3], $0x80, $0x38;
	[tilespmem:$0x1C200] =	vst v63  }
0x41: {  	_ =	swait.ge [sflag:s21], $0x80  }
0x42: {  	[sflag:s21] =	ssyncset.done $0x0  }
0x43: {  	[sflag:s21] =	ssyncadd.s32 $0xFFFFFF80  }
0x44: {  	[tilespmem:s17], [sflag:$0x5] =	stream.indirect.gather [hbm4b:s4+s20], $0x80, s3, s20, $0xb8;
	[tilespmem:$0x1C200] =	vst v63  }
0x45: {  	_ =	swait.ge [sflag:s22], $0x80  }
0x46: {  	[sflag:s22] =	ssyncset.done $0x0  }
0x47: {  	[sflag:s22] =	ssyncadd.s32 $0xFFFFFF80  }
0x48: {  	[tilespmem:s23], [sflag:$0x6] =	stream.indirect.gather [hbm4b:s4+s20], $0x80, s20, s20, $0xb8;
	[tilespmem:$0x1C200] =	vst v63  }
0x49: {  	_ =	swait.ge [sflag:s24], $0x4000  }
0x4a: {  	[sflag:s24] =	ssyncset.done $0x0  }
0x4b: {  	[sflag:s24] =	ssyncadd.s32 $0xFFFFC000  }
0x4c: {  	_ =	swait.ge [sflag:s25], $0x80  }
0x4d: {  	[sflag:s25] =	ssyncset.done $0x0  }
0x4e: {  	[sflag:s25] =	ssyncadd.s32 $0xFFFFFF80  }
0x4f: {  	[spmem:s1] =	stream.indirect.scatter.add.f32 [tilespmem:s17], [sflag:$0x7], $0x80, s19, s20, $0xb8;
	[tilespmem:$0x1C200] =	vst v63  }
0x50: {  	_ =	swait.ge [sflag:s18], $0x4000  }
0x51: {  	s31 =	rddreg [dreg:$0x3]  }
0x52: {  	s31 =	sadd.s32 $0x180, s31  }
0x53: {  	s8 =	simm.s32 $0x100;
	s2 =	sadd.s32 $0xFFFFFF80, s31  }
0x54: {  	s8 =	sand.u32 $0x300, s8;
	s2 =	sand.u32 $0x7FFFFC00, s2  }
0x55: {  	s2 =	sor.u32 s8, s2  }
0x56: {  	[sflag:s18] =	ssyncset.done $0x0;
	s8 =	sshrl.u32 s2, $0x3;
	s2 =	sadd.s32 $0x50000, s2  }
0x57: {  	[sflag:s18] =	ssyncadd.s32 $0xFFFFC000;
	s8 =	sadd.s32 s5, s8;
	s2 =	sshrl.u32 s2, $0x3  }
0x58: {  	[tilespmem:s3], [sflag:$0x1] =	stream.linear.gather [hbm4b:s8+s3], $0x80, $0x38;
	[tilespmem:$0x1C200] =	vst v63  }
0x59: {  	s2 =	sadd.s32 s5, s2  }
0x5a: {  	[tilespmem:s19], [sflag:$0x3] =	stream.linear.gather [hbm4b:s2+s3], $0x80, $0x38;
	[tilespmem:$0x1C200] =	vst v63  }
0x5b: {  	_ =	swait.ge [sflag:s26], $0x4000  }
0x5c: {  	[sflag:s26] =	ssyncset.done $0x0  }
0x5d: {  	[sflag:s26] =	ssyncadd.s32 $0xFFFFC000  }
0x5e: {  	_ =	swait.ge [sflag:s28], $0x80  }
0x5f: {  	[sflag:s28] =	ssyncset.done $0x0  }
0x60: {  	s0 =	sand.u32 $0x380, s9;
	s9 =	sand.u32 $0x7FFFFC00, s31;
	[sflag:s28] =	ssyncadd.s32 $0xFFFFFF80  }
0x61: {  	[spmem:s1] =	stream.indirect.scatter.add.f32 [tilespmem:s23], [sflag:$0x7], $0x80, s29, s20, $0xb8;
	[tilespmem:$0x1C200] =	vst v63  }
0x62: {  	s0 =	sor.u32 s0, s9;
	_ =	swait.ge [sflag:s18], $0x4000  }
0x63: {  	s2 =	sshrl.u32 s0, $0x3;
	s0 =	sadd.s32 $0x50000, s0;
	[sflag:s18] =	ssyncset.done $0x0  }
0x64: {  	s2 =	sadd.s32 s5, s2;
	s0 =	sshrl.u32 s0, $0x3;
	[sflag:s18] =	ssyncadd.s32 $0xFFFFC000  }
0x65: {  	[tilespmem:s20], [sflag:$0x2] =	stream.linear.gather [hbm4b:s2+s3], $0x80, $0x38;
	[tilespmem:$0x1C200] =	vst v63  }
0x66: {  	s0 =	sadd.s32 s5, s0  }
0x67: {  	[tilespmem:s29], [sflag:$0x4] =	stream.linear.gather [hbm4b:s0+s3], $0x80, $0x38;
	[tilespmem:$0x1C200] =	vst v63  }
0x68: {  	_ =	swait.ge [sflag:s21], $0x80  }
0x69: {  	[sflag:s21] =	ssyncset.done $0x0  }
0x6a: {  	[sflag:s21] =	ssyncadd.s32 $0xFFFFFF80  }
0x6b: {  	[tilespmem:s17], [sflag:$0x5] =	stream.indirect.gather [hbm4b:s4+s20], $0x80, s3, s20, $0xb8;
	[tilespmem:$0x1C200] =	vst v63  }
0x6c: {  	_ =	swait.ge [sflag:s22], $0x80  }
0x6d: {  	[sflag:s22] =	ssyncset.done $0x0  }
0x6e: {  	s31 =	simm.s32 $0x280;
	[sflag:s22] =	ssyncadd.s32 $0xFFFFFF80  }
.LBB2_4:
0x6f: {  	[tilespmem:s23], [sflag:$0x6] =	stream.indirect.gather [hbm4b:s4+s20], $0x80, s20, s20, $0xb8;
	[tilespmem:$0x1C200] =	vst v63  }
0x70: {  	_ =	swait.ge [sflag:s24], $0x4000  }
0x71: {  	[sflag:s24] =	ssyncset.done $0x0  }
0x72: {  	[sflag:s24] =	ssyncadd.s32 $0xFFFFC000  }
0x73: {  	_ =	swait.ge [sflag:s25], $0x80  }
0x74: {  	[sflag:s25] =	ssyncset.done $0x0  }
0x75: {  	[sflag:s25] =	ssyncadd.s32 $0xFFFFFF80  }
0x76: {  	[spmem:s1] =	stream.indirect.scatter.add.f32 [tilespmem:s17], [sflag:$0x7], $0x80, s19, s20, $0xb8;
	[tilespmem:$0x1C200] =	vst v63  }
0x77: {  	_ =	swait.ge [sflag:s18], $0x4000  }
0x78: {  	s0 =	smov.u32 s31;
	s2 =	rddreg [dreg:$0x3]  }
0x79: {  	s2 =	sadd.s32 s0, s2  }
0x7a: {  	s8 =	sand.u32 $0x380, s0;
	s0 =	sadd.s32 $0xFFFFFF80, s0;
	s9 =	sadd.s32 $0xFFFFFF80, s2  }
0x7b: {  	s0 =	sand.u32 $0x300, s0;
	s9 =	sand.u32 $0x7FFFFC00, s9  }
0x7c: {  	s0 =	sor.u32 s0, s9  }
0x7d: {  	[sflag:s18] =	ssyncset.done $0x0;
	s9 =	sshrl.u32 s0, $0x3;
	s0 =	sadd.s32 $0x50000, s0  }
0x7e: {  	[sflag:s18] =	ssyncadd.s32 $0xFFFFC000;
	s9 =	sadd.s32 s5, s9;
	s0 =	sshrl.u32 s0, $0x3  }
0x7f: {  	[tilespmem:s3], [sflag:$0x1] =	stream.linear.gather [hbm4b:s9+s3], $0x80, $0x38;
	[tilespmem:$0x1C200] =	vst v63  }
0x80: {  	s0 =	sadd.s32 s5, s0  }
0x81: {  	[tilespmem:s19], [sflag:$0x3] =	stream.linear.gather [hbm4b:s0+s3], $0x80, $0x38;
	[tilespmem:$0x1C200] =	vst v63  }
0x82: {  	_ =	swait.ge [sflag:s26], $0x4000  }
0x83: {  	[sflag:s26] =	ssyncset.done $0x0  }
0x84: {  	[sflag:s26] =	ssyncadd.s32 $0xFFFFC000  }
0x85: {  	_ =	swait.ge [sflag:s28], $0x80  }
0x86: {  	[sflag:s28] =	ssyncset.done $0x0  }
0x87: {  	s2 =	sand.u32 $0x7FFFFC00, s2;
	[sflag:s28] =	ssyncadd.s32 $0xFFFFFF80  }
0x88: {  	[spmem:s1] =	stream.indirect.scatter.add.f32 [tilespmem:s23], [sflag:$0x7], $0x80, s29, s20, $0xb8;
	[tilespmem:$0x1C200] =	vst v63  }
0x89: {  	s2 =	sor.u32 s8, s2;
	_ =	swait.ge [sflag:s18], $0x4000  }
0x8a: {  	s8 =	sshrl.u32 s2, $0x3;
	s2 =	sadd.s32 $0x50000, s2;
	[sflag:s18] =	ssyncset.done $0x0  }
0x8b: {  	s2 =	sshrl.u32 s2, $0x3;
	s8 =	sadd.s32 s5, s8;
	[sflag:s18] =	ssyncadd.s32 $0xFFFFC000  }
0x8c: {  	[tilespmem:s20], [sflag:$0x2] =	stream.linear.gather [hbm4b:s8+s3], $0x80, $0x38;
	[tilespmem:$0x1C200] =	vst v63  }
0x8d: {  	s9 =	sadd.s32 s5, s2  }
0x8e: {  	[tilespmem:s29], [sflag:$0x4] =	stream.linear.gather [hbm4b:s9+s3], $0x80, $0x38;
	[tilespmem:$0x1C200] =	vst v63  }
0x8f: {  	_ =	swait.ge [sflag:s21], $0x80  }
0x90: {  	p0 =	sne.s32 s31, $0x2780;
	[sflag:s21] =	ssyncset.done $0x0  }
.Ltmp1:
0x91: {  	[sflag:s21] =	ssyncadd.s32 $0xFFFFFF80;
	(pc) =	sbr.rel @p0 .LBB2_4-.Ltmp1, $4  }
0x92: {  	[tilespmem:s17], [sflag:$0x5] =	stream.indirect.gather [hbm4b:s4+s20], $0x80, s3, s20, $0xb8;
	[tilespmem:$0x1C200] =	vst v63  }
0x93: {  	_ =	swait.ge [sflag:s22], $0x80  }
0x94: {  	[sflag:s22] =	ssyncset.done $0x0  }
0x95: {  	s31 =	sadd.s32 $0x100, s31;
	[sflag:s22] =	ssyncadd.s32 $0xFFFFFF80  }
0x96: {  	[tilespmem:s23], [sflag:$0x6] =	stream.indirect.gather [hbm4b:s4+s20], $0x80, s20, s20, $0xb8;
	[tilespmem:$0x1C200] =	vst v63  }
0x97: {  	_ =	swait.ge [sflag:s24], $0x4000  }
0x98: {  	[sflag:s24] =	ssyncset.done $0x0  }
0x99: {  	[sflag:s24] =	ssyncadd.s32 $0xFFFFC000  }
0x9a: {  	_ =	swait.ge [sflag:s25], $0x80  }
0x9b: {  	[sflag:s25] =	ssyncset.done $0x0  }
0x9c: {  	[sflag:s25] =	ssyncadd.s32 $0xFFFFFF80  }
0x9d: {  	[spmem:s1] =	stream.indirect.scatter.add.f32 [tilespmem:s17], [sflag:$0x7], $0x80, s19, s20, $0xb8;
	[tilespmem:$0x1C200] =	vst v63  }
0x9e: {  	_ =	swait.ge [sflag:s18], $0x4000  }
0x9f: {  	[sflag:s18] =	ssyncset.done $0x0  }
0xa0: {  	[sflag:s18] =	ssyncadd.s32 $0xFFFFC000  }
0xa1: {  	_ =	swait.ge [sflag:s26], $0x4000  }
0xa2: {  	[sflag:s26] =	ssyncset.done $0x0  }
0xa3: {  	[sflag:s26] =	ssyncadd.s32 $0xFFFFC000  }
0xa4: {  	_ =	swait.ge [sflag:s28], $0x80  }
0xa5: {  	[sflag:s28] =	ssyncset.done $0x0  }
0xa6: {  	[sflag:s28] =	ssyncadd.s32 $0xFFFFFF80  }
0xa7: {  	[spmem:s1] =	stream.indirect.scatter.add.f32 [tilespmem:s23], [sflag:$0x7], $0x80, s29, s20, $0xb8;
	[tilespmem:$0x1C200] =	vst v63  }
0xa8: {  	s0 =	stileid.u32;
	_ =	swait.ge [sflag:s18], $0x4000  }
0xa9: {  	s2 =	sshrl.u32 s7, $0x3;
	s30 =	sadd.s32 $0x1, s30;
	[sflag:s18] =	ssyncset.done $0x0  }
0xaa: {  	s0 =	sshll.u32 s0, $0x6;
	p0 =	sne.s32 s30, s12;
	[sflag:s18] =	ssyncadd.s32 $0xFFFFC000  }
.Ltmp2:
0xab: {  	s0 =	sor.u32 $0x1C07, s0;
	[bflag:$0x0] =	sbarrier.arrive $0xFFFF;
	(pc) =	sbr.rel @p0 .LBB2_1-.Ltmp2, $4  }
0xac: {  	[hbm:s11], [sflag:s0] =	dma.local [spmem:s2], $0x2800  }
0xad: {  	_ =	swait.ge [sflag:s18], $0x2800  }
0xae: {  	[sflag:s18] =	ssyncset.done $0x0  }
0xaf: {  	[sflag:s18] =	ssyncadd.s32 $0xFFFFD800  }
0xb0: {  	_ =	sfence.sel $0x180000  }
0xb1: {  	[bflag:$0x0] =	sbarrier.arrive $0xFFFF  }
0xb2: {  	_ =	strace $0x9000004A  }
0xb3: {  	s0 =	stileid.u32;
	[bflag:$0x2] =	sbarrier.arrive $0xFFFF  }
0xb4: {  	p0 =	sne.s32 s0, $0x0;
	s0 =	rddreg [dreg:$0x2]  }
0xb5: {  	s0 =	sadd.s32 @!p0 $0x100000, s0  }
0xb6: {  	[sflag:s0] =	ssyncadd.tile.s32 @!p0 $0x1;
	_ =	shalt  }
.Lfunc_end2:
_tile_overlayer_lowered:
.L_overlay_start_2:
0xb7: {  	(tag) =	ssettag $0x2  }
0xb8: {  	s0 =	rddreg [dreg:$0x0];
	s2 =	stileid.u32  }
0xb9: {  	s1 =	rddreg [dreg:$0x1];
	p0 =	sne.s32 s2, $0x0  }
0xba: {  	s3 =	rddreg [dreg:$0x2];
	[bflag:$0x3] =	sbarrier.arrive $0xFFFF;
	s2 =	simm.s32 @!p0 $0x1C07  }
0xbb: {  	[timem:s3], [sflag:s2] =	dma.local @!p0 [hbm:s0], s1  }
0xbc: {  	s0 =	simm.s32 @!p0 $0x7  }
0xbd: {  	_ =	swait.ge @!p0 [sflag:s0], s1  }
0xbe: {  	s1 =	ssub.s32 @!p0 $0x0, s1;
	[sflag:s0] =	ssyncset.done @!p0 $0x0  }
0xbf: {  	[sflag:s0] =	ssyncadd.s32 @!p0 s1  }
0xc0: {  	[bflag:$0x3] =	sbarrier.arrive $0xFFFF  }
0xc1: {  	_ =	shalt  }

// kernel: kernel.7.cloned.1.call-start
scs
__scs_entry_jumppad:
0x0: {  	(pc) =	sbr.rel $0x88, $3  }
0x1: {  	(tag) =	ssettag $0x0;
	lr =	simm.s32 $0x1  }
0x2: {  	[smem:$0x3F8F] =	sst lr;
	_ =	strace $0xD0000000  }
0x3: {  	_ = 	snop  }
0x4: {  	_ = 	snop  }
0x5: {  	_ = 	snop  }
0x6: {  	_ = 	snop  }
0x7: {  	_ = 	snop  }
__scs_overlays_trampoline_lowered:
0x8: {  	[smem:$0x3F9E] =	sst s0  }
0x9: {  	[smem:$0x3F9F] =	sst s1  }
0xa: {  	[smem:$0x3FA0] =	sst s2  }
0xb: {  	[smem:$0x3FA1] =	sst s3  }
0xc: {  	[smem:$0x3FA2] =	sst s4  }
0xd: {  	[smem:$0x3FA3] =	sst s5  }
0xe: {  	[smem:$0x3FA4] =	sst s6  }
0xf: {  	[smem:$0x3FA5] =	sst s7  }
0x10: {  	[smem:$0x3FA6] =	sst s8  }
0x11: {  	[smem:$0x3FA7] =	sst s9;
	s0 =	simm.s32 @!p0 $0x0  }
0x12: {  	s1 =	sld [smem:$0x3F8D];
	s0 =	simm.s32 @p0 $0x1  }
0x13: {  	[smem:$0x3FA8] =	sst s0;
	s0 =	simm.s32 @!p1 $0x0  }
0x14: {  	s2 =	sld [smem:$0x3F8C];
	s0 =	simm.s32 @p1 $0x1  }
0x15: {  	[smem:$0x3FA9] =	sst s0;
	s0 =	simm.s32 @!p2 $0x0  }
0x16: {  	s3 =	sld [smem:$0x3FDB];
	s0 =	simm.s32 @p2 $0x1  }
0x17: {  	s4 =	simm.s32 $0x1BF5;
	[smem:$0x3FAB] =	sst s0  }
0x18: {  	s0 =	sld [smem:$0x3F8E];
	_ =	swait.ge [sflag:s4], $0x0  }
0x19: {  	s7 =	sld [smem:$0x3F8F]  }
0x1a: {  	s8 =	sadd.s32 $0xFFFFE003, lr  }
0x1b: {  	s9 =	sadd.s32 $0xFFFFFEF7, lr;
	s5 =	simm.s32 $0xFFFFFFFF;
	p2 =	slt.u32 s8, $0xFFFFF086  }
0x1c: {  	p1 =	slt.u32 s9, $0xF7A;
	s5 =	simm.s32 @!p2 $0x0  }
0x1d: {  	s5 =	simm.s32 @p1 $0x1;
	p0 =	seq.s32 s7, s2  }
0x1e: {  	s7 =	smul.u32 @!p0 $0xF7A, s2;
	p2 =	seq.s32 @!p0 s5, $0x0  }
0x1f: {  	s9 =	smul.u32 $0xF7A, s1;
	s8 =	simm.s32 @!p0 $0x1BF5;
	p2 =	por !p2, p0  }
0x20: {  	[sflag:s8] =	ssyncset.s32 @!p0 $0xFFFFF086;
	s6 =	sadd.s32 @!p0 s3, s7;
	s7 =	simm.s32 @!p0 $0x108  }
0x21: {  	s3 =	sadd.s32 s3, s9;
	s6 =	sadd.s32 @!p0 $0x88, s6;
	s7 =	simm.s32 @p2 $0x1082  }
0x22: {  	[simem:s7], [sflag:s8] =	dma.local @!p0 [hbm:s6], $0xF7A  }
0x23: {  	s9 =	sor.u32 $0xD0000000, s2;
	s6 =	simm.s32 $0x108;
	_ =	swait.ge @!p0 [sflag:s8], $0x0  }
0x24: {  	s3 =	sadd.s32 $0x88, s3;
	s6 =	simm.s32 @!p1 $0x1082;
	[sflag:s4] =	ssyncset.s32 $0xFFFFF086  }
0x25: {  	[simem:s6], [sflag:s4] =	dma.local [hbm:s3], $0xF7A  }
0x26: {  	[smem:$0x3F8F] =	sst s1;
	(tag) =	ssettag s2;
	_ =	strace s9  }
0x27: {  	s1 =	sld [smem:$0x3F9F]  }
0x28: {  	s2 =	sld [smem:$0x3FA0]  }
0x29: {  	s4 =	sld [smem:$0x3FA2]  }
0x2a: {  	p0 =	seq.s32 s5, $0x0;
	s5 =	sld [smem:$0x3FA3]  }
0x2b: {  	s6 =	sld [smem:$0x3FA4]  }
0x2c: {  	s7 =	sld [smem:$0x3FA5]  }
0x2d: {  	s3 =	simm.s32 $0x108;
	s8 =	sld [smem:$0x3FA6]  }
0x2e: {  	s3 =	simm.s32 @!p0 $0x1082;
	s9 =	sld [smem:$0x3FA7]  }
0x2f: {  	lr =	sadd.s32 s0, s3;
	s0 =	sld [smem:$0x3F9E]  }
0x30: {  	s3 =	sld [smem:$0x3FA1]  }
0x31: {  	[smem:$0x3FAA] =	sst s10  }
0x32: {  	s10 =	sld [smem:$0x3FA8];
	_ =	sdelay $0x3  }
0x33: {  	p0 =	seq.s32 s10, $0x1;
	s10 =	sld [smem:$0x3FAA];
	_ =	sdelay $0x3  }
0x34: {  	[smem:$0x3FAA] =	sst s10  }
0x35: {  	s10 =	sld [smem:$0x3FA9];
	_ =	sdelay $0x3  }
0x36: {  	p1 =	seq.s32 s10, $0x1;
	s10 =	sld [smem:$0x3FAA];
	_ =	sdelay $0x3  }
0x37: {  	[smem:$0x3FAA] =	sst s10  }
0x38: {  	s10 =	sld [smem:$0x3FAB]  }
0x39: {  	_ = 	snop;
	(pc) =	sbr.ind lr, $3  }
0x3a: {  	_ = 	snop  }
0x3b: {  	_ = 	snop  }
0x3c: {  	p2 =	seq.s32 s10, $0x1;
	s10 =	sld [smem:$0x3FAA]  }
0x3d: {  	_ =	shalt  }
0x3e: {  	_ =	shalt  }
0x3f: {  	_ =	shalt  }
0x40: {  	_ =	shalt  }
0x41: {  	_ =	shalt  }
0x42: {  	_ =	shalt  }
0x43: {  	_ =	shalt  }
0x44: {  	_ =	shalt  }
0x45: {  	_ =	shalt  }
0x46: {  	_ =	shalt  }
0x47: {  	_ =	shalt  }
0x48: {  	_ =	shalt  }
0x49: {  	_ =	shalt  }
0x4a: {  	_ =	shalt  }
0x4b: {  	_ =	shalt  }
0x4c: {  	_ =	shalt  }
0x4d: {  	_ =	shalt  }
0x4e: {  	_ =	shalt  }
0x4f: {  	_ =	shalt  }
0x50: {  	_ =	shalt  }
0x51: {  	_ =	shalt  }
0x52: {  	_ =	shalt  }
0x53: {  	_ =	shalt  }
0x54: {  	_ =	shalt  }
0x55: {  	_ =	shalt  }
0x56: {  	_ =	shalt  }
0x57: {  	_ =	shalt  }
0x58: {  	_ =	shalt  }
0x59: {  	_ =	shalt  }
0x5a: {  	_ =	shalt  }
0x5b: {  	_ =	shalt  }
0x5c: {  	_ =	shalt  }
0x5d: {  	_ =	shalt  }
0x5e: {  	_ =	shalt  }
0x5f: {  	_ =	shalt  }
0x60: {  	_ =	shalt  }
0x61: {  	_ =	shalt  }
0x62: {  	_ =	shalt  }
0x63: {  	_ =	shalt  }
0x64: {  	_ =	shalt  }
0x65: {  	_ =	shalt  }
0x66: {  	_ =	shalt  }
0x67: {  	_ =	shalt  }
0x68: {  	_ =	shalt  }
0x69: {  	_ =	shalt  }
0x6a: {  	_ =	shalt  }
0x6b: {  	_ =	shalt  }
0x6c: {  	_ =	shalt  }
0x6d: {  	_ =	shalt  }
0x6e: {  	_ =	shalt  }
0x6f: {  	_ =	shalt  }
0x70: {  	_ =	shalt  }
0x71: {  	_ =	shalt  }
0x72: {  	_ =	shalt  }
0x73: {  	_ =	shalt  }
0x74: {  	_ =	shalt  }
0x75: {  	_ =	shalt  }
0x76: {  	_ =	shalt  }
0x77: {  	_ =	shalt  }
0x78: {  	_ =	shalt  }
0x79: {  	_ =	shalt  }
0x7a: {  	_ =	shalt  }
0x7b: {  	_ =	shalt  }
0x7c: {  	_ =	shalt  }
0x7d: {  	_ =	shalt  }
0x7e: {  	_ =	shalt  }
0x7f: {  	_ =	shalt  }
0x80: {  	_ =	shalt  }
0x81: {  	_ =	shalt  }
0x82: {  	_ =	shalt  }
0x83: {  	_ =	shalt  }
0x84: {  	_ =	shalt  }
0x85: {  	_ =	shalt  }
0x86: {  	_ =	shalt  }
0x87: {  	_ =	shalt  }
.Lfunc_end0:
.L_simem_size_0:
called_computation_lowered:
.L_overlay_start_0:
0x88: {  	s2 =	sld [smem:$0x3FD9]  }
0x89: {  	s3 =	sld [smem:$0x3FFE];
	_ =	sdelay $0x1  }
0x8a: {  	s1 =	srdreg.scid  }
0x8b: {  	s0 =	sand.u32 $0x1, s1  }
0x8c: {  	s16 =	sshll.u32 s0, $0xA;
	s2 =	sadd.s32 s3, s2  }
0x8d: {  	s2 =	sadd.s32 s2, s16  }
0x8e: {  	[smem:$0x3FB6] =	sst s2  }
0x8f: {  	_ = 	snop  }
0x90: {  	(tm) =	ssettm $0x1  }
0x91: {  	s17 =	sld [smem:$0x3FFB];
	_ =	sdelay $0x3  }
0x92: {  	_ =	strace s17  }
0x93: {  	s2 =	sld [smem:$0x3FFC];
	_ =	sdelay $0x3  }
0x94: {  	_ =	strace s2  }
0x95: {  	s2 =	sld [smem:$0x3FFD];
	_ =	sdelay $0x3  }
0x96: {  	_ =	strace s2  }
0x97: {  	_ =	strace $0x8FFFFFFF  }
0x98: {  	s18 =	sld [smem:$0x3FDB];
	_ =	sdelay $0x1  }
0x99: {  	s19 =	simm.s32 $_scs_section_size  }
0x9a: {  	s4 =	simm.s32 $_size__tile_overlayer_lowered;
	s5 =	simm.s32 $_tile_overlayer_lowered  }
0x9b: {  	s22 =	simm.s32 $0x1BFF;
	s21 =	sshll.u32 s5, $0x1;
	s2 =	sadd.s32 s19, s18  }
0x9c: {  	s6 =	simm.s32 $0x0;
	s20 =	sshll.u32 s4, $0x1;
	s4 =	sadd.s32 s21, s2  }
0x9d: {  	[timem:s6], [sflag:s22] =	dma.local [hbm:s4], s20  }
0x9e: {  	_ =	swait.ge [sflag:s22], s20  }
0x9f: {  	s3 =	ssub.s32 $0x0, s20;
	[sflag:s22] =	ssyncset.done $0x0  }
0xa0: {  	[sflag:s22] =	ssyncadd.s32 s3;
	_ =	sdelay $0x1  }
0xa1: {  	s23 =	simm.s32 $0x1B8B  }
0xa2: {  	_ =	swait.ge [sflag:s23], $0x1  }
0xa3: {  	[sflag:s23] =	ssyncset.done $0x0  }
0xa4: {  	s25 =	simm.s32 $0x1B8E;
	s24 =	sld [smem:$0x3FFE];
	[sflag:s23] =	ssyncadd.s32 $0xFFFFFFFF  }
0xa5: {  	s26 =	simm.s32 $execute0_lowered;
	[smem:$0x3FD2] =	sst s25  }
0xa6: {  	s4 =	sshll.u32 s26, $0x1;
	_ =	strace $0x80000046;
	[dreg:$0x1] =	wrdreg $0xFFFFFFFF  }
0xa7: {  	s28 =	simm.s32 $_size_execute0_lowered;
	s2 =	sadd.s32 s2, s4;
	[dreg:$0x0] =	wrdreg $0x0  }
0xa8: {  	s4 =	sshll.u32 s28, $0x1;
	[dreg:$0x2] =	wrdreg s2  }
0xa9: {  	[dreg:$0x3] =	wrdreg s4  }
0xaa: {  	[dreg:$0x4] =	wrdreg $0xC0  }
0xab: {  	_ =	task [dreg:s6], $0x5FFFF  }
0xac: {  	[dreg:$0x1] =	wrdreg $0xFFFFFFFF  }
0xad: {  	[dreg:$0x0] =	wrdreg $0x60  }
0xae: {  	[dreg:$0x2] =	wrdreg s24  }
0xaf: {  	[dreg:$0x3] =	wrdreg $0x29800  }
0xb0: {  	[dreg:$0x4] =	wrdreg $0x9  }
0xb1: {  	_ =	task.clear_ibuf [dreg:s6], $0x5FFFF;
	_ =	strace $0x90000046  }
0xb2: {  	s29 =	simm.s32 $0x9;
	_ =	strace $0x80000048  }
0xb3: {  	_ =	swait.ge [sflag:s29], $0x1  }
0xb4: {  	[sflag:s29] =	ssyncadd.s32 $0xFFFFFFFF  }
0xb5: {  	_ =	strace $0x90000048  }
0xb6: {  	_ =	sfence  }
0xb7: {  	s30 =	sld [smem:$0x0];
	_ =	sdelay $0x2  }
0xb8: {  	s31 =	sshll.u32 s1, $0xD;
	s1 =	sshrl.u32 s1, $0x2  }
0xb9: {  	s3 =	sand.u32 $0x4000, s31;
	s1 =	sadd.s32 s1, s30  }
0xba: {  	s0 =	sor.u32 s3, s0;
	s1 =	sshll.u32 s1, $0x11  }
0xbb: {  	s0 =	sor.u32 s1, s0  }
0xbc: {  	s0 =	sadd.s32 $0x8F2B, s0  }
0xbd: {  	[sflag:s0] =	ssyncadd.remote.s32 $0x1  }
0xbe: {  	_ =	sfence.sel $0xFFFF  }
0xbf: {  	[dreg:$0x0] =	wrdreg $0xFFFFFFFF;
	(pc) =	sbr.abs _section_cstart, $3  }
0xc0: {  	[dreg:$0x1] =	wrdreg $0xFFFFFFFF  }
0xc1: {  	_ =	task.clear_ibuf [dreg:s6], $0x2FFFF;
	_ =	strace $0x9FFFFFFF  }
0xc2: {  	(tm) =	ssettm $0x7FFFFFFF  }
0xc3: {  	_ =	shalt  }
tec
execute0_lowered:
.L_overlay_start_1:
0x0: {  	(tag) =	ssettag $0x1  }
0x1: {  	s0 =	srdreg.scid;
	s5 =	rddreg [dreg:$0x0]  }
0x2: {  	s16 =	stileid.u32;
	s1 =	rddreg [dreg:$0x1];
	s2 =	simm.s32 $0x0  }
0x3: {  	s11 =	simm.s32 $0x100;
	s12 =	simm.s32 $0x2;
	s13 =	simm.s32 $0x50  }
0x4: {  	s14 =	simm.s32 $0x2900;
	s15 =	simm.s32 $0x3;
	s18 =	simm.s32 $0x0  }
0x5: {  	s3 =	sand.u32 $0x1, s0;
	[smem:$0x7FF] =	sst s2;
	s7 =	sshll.u32 s16, $0xA  }
0x6: {  	s10 =	smul.u32 $0x500, s16;
	p0 =	sne.s32 s16, $0x0;
	p1 =	sgt.u32 s16, $0x9  }
0x7: {  	s0 =	sshll.u32 s3, $0x4;
	s6 =	smul.u32 $0x2800, s3;
	s8 =	ssub.s32 $0x2, s3  }
0x8: {  	s31 =	smul.u32 $0x5000, s3;
	s17 =	sadd.s32 s7, s1;
	s4 =	sor.u32 s16, s0  }
0x9: {  	s0 =	rddreg [dreg:$0x2];
	_ =	strace $0x80000047;
	s9 =	sshrl.u32 s8, $0x1  }
0xa: {  	s16 =	sshll.u32 @!p1 s16, $0x6;
	s17 =	sshrl.u32 @!p1 s17, $0x3;
	s4 =	smul.u32 $0x2800, s4  }
0xb: {  	s6 =	sadd.s32 s7, s6;
	s8 =	ssub.s32 s8, s9;
	s9 =	simm.s32 $0x80  }
0xc: {  	s16 =	sor.u32 @!p1 $0x1C03, s16;
	s6 =	sshrl.u32 s6, $0x3;
	s7 =	smax.u32 s8, $0x1  }
0xd: {  	v0 =	vlaneseq.u32;
	s8 =	sadd.s32 s10, s31;
	s10 =	simm.s32 $0x1;
	s4 =	sshrl.u32 s4, $0x3  }
0xe: {  	v1 =	vimm.f32 $0.0e+00;
	v6 =	vimm.f32 $1.000000000e+00;
	v2 =	vor.u32 $0x10, v0;
	s6 =	sadd.s32 s6, s5;
	s4 =	sadd.s32 s4, s5;
	s5 =	sadd.s32 $0xDA00, s5  }
0xf: {  	v3 =	vor.u32 $0x20, v0;
	v4 =	vor.u32 $0x30, v0;
	v5 =	vor.u32 $0x40, v0;
	s6 =	sadd.s32 $0x17A00, s6;
	s3 =	sadd.s32 $0xDA00, s4;
	s4 =	sadd.s32 $0xDA10, s4  }
.LBB2_1:
0x10: {  	s19 =	simm.s32 $0x70;
	s20 =	simm.s32 $0x3C0  }
.LBB2_2:
0x11: {  	p2 =	sne.s32 s20, $0x9FC0;
	[tilespmem:s19+$0x100] =	vst v1  }
0x12: {  	[tilespmem:s19+$0x90] =	vst v1  }
0x13: {  	[tilespmem:s19+$0xA0] =	vst v1  }
.Ltmp0:
0x14: {  	[tilespmem:s19+$0xB0] =	vst v1;
	(pc) =	sbr.rel @p2 .LBB2_2-.Ltmp0, $4  }
0x15: {  	[tilespmem:s19+$0xC0] =	vst v1  }
0x16: {  	[tilespmem:s19+$0xD0] =	vst v1  }
0x17: {  	[tilespmem:s19+$0xE0] =	vst v1  }
0x18: {  	[tilespmem:s19+$0xF0] =	vst v1;
	s19 =	sshra.s32 s20, $0x2;
	s20 =	sadd.s32 $0x200, s20  }
0x19: {  	[tilespmem:s19+$0x100] =	vst v1  }
0x1a: {  	[tilespmem:s19+$0x90] =	vst v1  }
0x1b: {  	[tilespmem:s19+$0xA0] =	vst v1  }
0x1c: {  	[tilespmem:s19+$0xB0] =	vst v1  }
0x1d: {  	[tilespmem:s19+$0xC0] =	vst v1  }
0x1e: {  	[tilespmem:s19+$0xD0] =	vst v1  }
0x1f: {  	[tilespmem:s19+$0xE0] =	vst v1  }
0x20: {  	[tilespmem:s19+$0xF0] =	vst v1  }
0x21: {  	[tilespmem:$0x2900] =	vst v0  }
0x22: {  	[tilespmem:$0x2910] =	vst v2  }
0x23: {  	[tilespmem:$0x2920] =	vst v3  }
0x24: {  	[tilespmem:$0x2930] =	vst v4  }
0x25: {  	s19 =	simm.s32 @!p0 $0x100;
	[tilespmem:$0x2940] =	vst v5  }
0x26: {  	[spmem:s1] =	stream.linear.scatter @!p0 [tilespmem:s19], [sflag:$0x3], $0x2800, $0x38;
	[tilespmem:$0x2C00] =	vst v63  }
0x27: {  	s19 =	simm.s32 @!p0 $0x3  }
0x28: {  	_ =	swait.ge @!p0 [sflag:s19], $0x2800  }
0x29: {  	[sflag:s19] =	ssyncset.done @!p0 $0x0  }
0x2a: {  	[sflag:s19] =	ssyncadd.s32 @!p0 $0xFFFFD800  }
0x2b: {  	[tilespmem:s2], [sflag:$0x1] =	stream.linear.gather [hbm4b:s3+s2], $0x80, $0x38;
	[tilespmem:$0x2C00] =	vst v63  }
0x2c: {  	s19 =	simm.s32 $0x30  }
0x2d: {  	[tilespmem:s9], [sflag:$0x2] =	stream.linear.gather [hbm4b:s4+s2], $0x80, $0x38;
	[tilespmem:$0x2C00] =	vst v63  }
.LBB2_4:
0x2e: {  	_ =	swait.ge [sflag:s10], $0x80  }
0x2f: {  	[sflag:s10] =	ssyncset.done $0x0  }
0x30: {  	[sflag:s10] =	ssyncadd.s32 $0xFFFFFF80  }
0x31: {  	v7 =	vld [tilespmem:$0x0];
	_ =	sdelay $0x7  }
0x32: {  	[tilespmem:v7+s11+$0x0] =	vst.idx.add.f32.msk $0xffff, v6  }
0x33: {  	v7 =	vld [tilespmem:$0x10];
	_ =	sdelay $0x7  }
0x34: {  	[tilespmem:v7+s11+$0x0] =	vst.idx.add.f32.msk $0xffff, v6  }
0x35: {  	v7 =	vld [tilespmem:$0x20];
	_ =	sdelay $0x7  }
0x36: {  	[tilespmem:v7+s11+$0x0] =	vst.idx.add.f32.msk $0xffff, v6  }
0x37: {  	v7 =	vld [tilespmem:$0x30];
	_ =	sdelay $0x7  }
0x38: {  	[tilespmem:v7+s11+$0x0] =	vst.idx.add.f32.msk $0xffff, v6  }
0x39: {  	v7 =	vld [tilespmem:$0x40];
	_ =	sdelay $0x7  }
0x3a: {  	[tilespmem:v7+s11+$0x0] =	vst.idx.add.f32.msk $0xffff, v6  }
0x3b: {  	v7 =	vld [tilespmem:$0x50];
	_ =	sdelay $0x7  }
0x3c: {  	[tilespmem:v7+s11+$0x0] =	vst.idx.add.f32.msk $0xffff, v6  }
0x3d: {  	v7 =	vld [tilespmem:$0x60];
	_ =	sdelay $0x7  }
0x3e: {  	[tilespmem:v7+s11+$0x0] =	vst.idx.add.f32.msk $0xffff, v6  }
0x3f: {  	v7 =	vld [tilespmem:$0x70];
	_ =	sdelay $0x4  }
0x40: {  	s20 =	sadd.s32 s19, s8;
	s21 =	sadd.s32 $0xFFFFFFF0, s19  }
0x41: {  	s22 =	sadd.s32 $0xFFFFFFF0, s20;
	s21 =	sand.u32 $0x60, s21  }
0x42: {  	s22 =	sand.u32 $0xFFFFF80, s22;
	s21 =	sadd.s32 s21, s5  }
0x43: {  	s21 =	sadd.s32 s22, s21;
	[tilespmem:v7+s11+$0x0] =	vst.idx.add.f32.msk $0xffff, v6  }
0x44: {  	[tilespmem:s2], [sflag:$0x1] =	stream.linear.gather [hbm4b:s21+s2], $0x80, $0x38;
	[tilespmem:$0x2C00] =	vst v63  }
0x45: {  	_ =	swait.ge [sflag:s12], $0x80  }
0x46: {  	[sflag:s12] =	ssyncset.done $0x0  }
0x47: {  	[sflag:s12] =	ssyncadd.s32 $0xFFFFFF80  }
0x48: {  	v7 =	vld [tilespmem:$0x80];
	_ =	sdelay $0x7  }
0x49: {  	[tilespmem:v7+s11+$0x0] =	vst.idx.add.f32.msk $0xffff, v6  }
0x4a: {  	v7 =	vld [tilespmem:$0x90];
	_ =	sdelay $0x7  }
0x4b: {  	[tilespmem:v7+s11+$0x0] =	vst.idx.add.f32.msk $0xffff, v6  }
0x4c: {  	v7 =	vld [tilespmem:$0xA0];
	_ =	sdelay $0x7  }
0x4d: {  	[tilespmem:v7+s11+$0x0] =	vst.idx.add.f32.msk $0xffff, v6  }
0x4e: {  	v7 =	vld [tilespmem:$0xB0];
	_ =	sdelay $0x7  }
0x4f: {  	[tilespmem:v7+s11+$0x0] =	vst.idx.add.f32.msk $0xffff, v6  }
0x50: {  	v7 =	vld [tilespmem:$0xC0];
	_ =	sdelay $0x7  }
0x51: {  	[tilespmem:v7+s11+$0x0] =	vst.idx.add.f32.msk $0xffff, v6  }
0x52: {  	v7 =	vld [tilespmem:$0xD0];
	_ =	sdelay $0x7  }
0x53: {  	[tilespmem:v7+s11+$0x0] =	vst.idx.add.f32.msk $0xffff, v6  }
0x54: {  	v7 =	vld [tilespmem:$0xE0];
	_ =	sdelay $0x7  }
0x55: {  	[tilespmem:v7+s11+$0x0] =	vst.idx.add.f32.msk $0xffff, v6  }
0x56: {  	v7 =	vld [tilespmem:$0xF0];
	_ =	sdelay $0x3  }
0x57: {  	p2 =	sne.s32 s19, $0x4F0  }
.Ltmp1:
0x58: {  	_ = 	snop;
	(pc) =	sbr.rel @p2 .LBB2_4-.Ltmp1, $4  }
0x59: {  	s31 =	sand.u32 $0x70, s19  }
0x5a: {  	s20 =	sand.u32 $0xFFFFF80, s20;
	s21 =	sadd.s32 s31, s5  }
0x5b: {  	s19 =	sadd.s32 $0x20, s19;
	s20 =	sadd.s32 s20, s21;
	[tilespmem:v7+s11+$0x0] =	vst.idx.add.f32.msk $0xffff, v6  }
0x5c: {  	[tilespmem:s9], [sflag:$0x2] =	stream.linear.gather [hbm4b:s20+s2], $0x80, $0x38;
	[tilespmem:$0x2C00] =	vst v63  }
0x5d: {  	_ =	swait.ge [sflag:s10], $0x80  }
0x5e: {  	[sflag:s10] =	ssyncset.done $0x0  }
0x5f: {  	[sflag:s10] =	ssyncadd.s32 $0xFFFFFF80  }
0x60: {  	v7 =	vld [tilespmem:$0x0];
	_ =	sdelay $0x7  }
0x61: {  	[tilespmem:v7+s11+$0x0] =	vst.idx.add.f32.msk $0xffff, v6  }
0x62: {  	v7 =	vld [tilespmem:$0x10];
	_ =	sdelay $0x7  }
0x63: {  	[tilespmem:v7+s11+$0x0] =	vst.idx.add.f32.msk $0xffff, v6  }
0x64: {  	v7 =	vld [tilespmem:$0x20];
	_ =	sdelay $0x7  }
0x65: {  	[tilespmem:v7+s11+$0x0] =	vst.idx.add.f32.msk $0xffff, v6  }
0x66: {  	v7 =	vld [tilespmem:$0x30];
	_ =	sdelay $0x7  }
0x67: {  	[tilespmem:v7+s11+$0x0] =	vst.idx.add.f32.msk $0xffff, v6  }
0x68: {  	v7 =	vld [tilespmem:$0x40];
	_ =	sdelay $0x7  }
0x69: {  	[tilespmem:v7+s11+$0x0] =	vst.idx.add.f32.msk $0xffff, v6  }
0x6a: {  	v7 =	vld [tilespmem:$0x50];
	_ =	sdelay $0x7  }
0x6b: {  	[tilespmem:v7+s11+$0x0] =	vst.idx.add.f32.msk $0xffff, v6  }
0x6c: {  	v7 =	vld [tilespmem:$0x60];
	_ =	sdelay $0x7  }
0x6d: {  	[tilespmem:v7+s11+$0x0] =	vst.idx.add.f32.msk $0xffff, v6  }
0x6e: {  	v7 =	vld [tilespmem:$0x70];
	_ =	sdelay $0x7  }
0x6f: {  	[tilespmem:v7+s11+$0x0] =	vst.idx.add.f32.msk $0xffff, v6  }
0x70: {  	_ =	swait.ge [sflag:s12], $0x80  }
0x71: {  	[sflag:s12] =	ssyncset.done $0x0  }
0x72: {  	[sflag:s12] =	ssyncadd.s32 $0xFFFFFF80  }
0x73: {  	v7 =	vld [tilespmem:$0x80];
	_ =	sdelay $0x7  }
0x74: {  	[tilespmem:v7+s11+$0x0] =	vst.idx.add.f32.msk $0xffff, v6  }
0x75: {  	v7 =	vld [tilespmem:$0x90];
	_ =	sdelay $0x7  }
0x76: {  	[tilespmem:v7+s11+$0x0] =	vst.idx.add.f32.msk $0xffff, v6  }
0x77: {  	v7 =	vld [tilespmem:$0xA0];
	_ =	sdelay $0x7  }
0x78: {  	[tilespmem:v7+s11+$0x0] =	vst.idx.add.f32.msk $0xffff, v6  }
0x79: {  	v7 =	vld [tilespmem:$0xB0];
	_ =	sdelay $0x7  }
0x7a: {  	[tilespmem:v7+s11+$0x0] =	vst.idx.add.f32.msk $0xffff, v6  }
0x7b: {  	v7 =	vld [tilespmem:$0xC0];
	_ =	sdelay $0x7  }
0x7c: {  	[tilespmem:v7+s11+$0x0] =	vst.idx.add.f32.msk $0xffff, v6  }
0x7d: {  	v7 =	vld [tilespmem:$0xD0];
	_ =	sdelay $0x7  }
0x7e: {  	[tilespmem:v7+s11+$0x0] =	vst.idx.add.f32.msk $0xffff, v6  }
0x7f: {  	v7 =	vld [tilespmem:$0xE0];
	_ =	sdelay $0x7  }
0x80: {  	[tilespmem:v7+s11+$0x0] =	vst.idx.add.f32.msk $0xffff, v6  }
0x81: {  	v7 =	vld [tilespmem:$0xF0];
	_ =	sdelay $0x7  }
0x82: {  	[tilespmem:v7+s11+$0x0] =	vst.idx.add.f32.msk $0xffff, v6  }
0x83: {  	[bflag:$0x0] =	sbarrier.arrive $0xFFFF  }
0x84: {  	[spmem:s1] =	stream.indirect.scatter.add.f32 [tilespmem:s11], [sflag:$0x3], $0x80, s14, s13, $0xb8;
	[tilespmem:$0x2C00] =	vst v63  }
0x85: {  	_ =	swait.ge [sflag:s15], $0x2800  }
0x86: {  	s18 =	sadd.s32 $0x1, s18;
	[sflag:s15] =	ssyncset.done $0x0  }
0x87: {  	p2 =	sne.s32 s18, s7;
	[sflag:s15] =	ssyncadd.s32 $0xFFFFD800  }
.Ltmp2:
0x88: {  	s19 =	simm.s32 @!p1 $0x3;
	[bflag:$0x0] =	sbarrier.arrive $0xFFFF;
	(pc) =	sbr.rel @p2 .LBB2_1-.Ltmp2, $4  }
0x89: {  	[hbm:s6], [sflag:s16] =	dma.local @!p1 [spmem:s17], $0x80  }
0x8a: {  	_ =	swait.ge @!p1 [sflag:s19], $0x80  }
0x8b: {  	[sflag:s19] =	ssyncset.done @!p1 $0x0  }
0x8c: {  	[sflag:s19] =	ssyncadd.s32 @!p1 $0xFFFFFF80  }
0x8d: {  	_ =	sfence.sel $0x180000  }
0x8e: {  	[bflag:$0x0] =	sbarrier.arrive $0xFFFF  }
0x8f: {  	_ =	strace $0x90000047  }
0x90: {  	s0 =	sadd.s32 @!p0 $0x100000, s0;
	[bflag:$0x2] =	sbarrier.arrive $0xFFFF  }
0x91: {  	[sflag:s0] =	ssyncadd.tile.s32 @!p0 $0x1;
	_ =	shalt  }
.Lfunc_end2:
_tile_overlayer_lowered:
.L_overlay_start_2:
0x92: {  	(tag) =	ssettag $0x2  }
0x93: {  	s0 =	rddreg [dreg:$0x0];
	s2 =	stileid.u32  }
0x94: {  	s1 =	rddreg [dreg:$0x1];
	p0 =	sne.s32 s2, $0x0  }
0x95: {  	s3 =	rddreg [dreg:$0x2];
	[bflag:$0x3] =	sbarrier.arrive $0xFFFF;
	s2 =	simm.s32 @!p0 $0x1C03  }
0x96: {  	[timem:s3], [sflag:s2] =	dma.local @!p0 [hbm:s0], s1  }
0x97: {  	s0 =	simm.s32 @!p0 $0x3  }
0x98: {  	_ =	swait.ge @!p0 [sflag:s0], s1  }
0x99: {  	s1 =	ssub.s32 @!p0 $0x0, s1;
	[sflag:s0] =	ssyncset.done @!p0 $0x0  }
0x9a: {  	[sflag:s0] =	ssyncadd.s32 @!p0 s1  }
0x9b: {  	[bflag:$0x3] =	sbarrier.arrive $0xFFFF  }
0x9c: {  	_ =	shalt  }

</sc_bundles>
